<compile_context>
chip_gen: v7x
topology: tpu7x:2x2x1
jax: 0.10.2.dev20260603
libtpu: 0.0.44.dev20260713+nightly
codegen_flags: <defaults>
</compile_context>

<pallas_src>
import functools

import jax
import jax.numpy as jnp
from jax import lax
from jax.experimental import pallas as pl
from jax.experimental.pallas import tpu as pltpu
from jax.experimental.pallas import tpu_sc as plsc

S = 100
B = 128
DIM = 256
MAXC = 4
NLEV = 10
PADL = 16
NEG = -1e30
NW1 = 3 * DIM
NBIG = 2 * NW1 + 128
NHPAD = 640


def _sc_gather(ctab, ptab, cidx, pidx):
    info = plsc.get_sparse_core_info()
    NC, NS = info.num_cores, info.num_subcores
    NWK = NC * NS
    ncon = cidx.shape[0]
    npro = pidx.shape[0]
    c_per = ncon // NWK
    p_per = npro // NWK
    CCH = 160
    PCH = 80
    mesh = plsc.VectorSubcoreMesh(core_axis_name="c", subcore_axis_name="s")

    @functools.partial(
        pl.kernel,
        mesh=mesh,
        out_type=(jax.ShapeDtypeStruct((ncon, DIM), jnp.float32),
                  jax.ShapeDtypeStruct((npro, DIM), jnp.float32)),
        scratch_types=[pltpu.VMEM((CCH,), jnp.int32),
                       pltpu.VMEM((CCH, DIM), jnp.float32),
                       pltpu.VMEM((PCH,), jnp.int32),
                       pltpu.VMEM((PCH, DIM), jnp.float32),
                       pltpu.SemaphoreType.DMA],
    )
    def k(ctab_h, ptab_h, ci_h, pi_h, gout, pout, cidx_v, crows_v, pidx_v,
          prows_v, sem):
        wid = lax.axis_index("s") * NC + lax.axis_index("c")
        cbase = wid * c_per
        pbase = wid * p_per

        def cbody(i, carry):
            off = cbase + i * CCH
            pltpu.sync_copy(ci_h.at[pl.ds(off, CCH)], cidx_v)
            pltpu.async_copy(ctab_h.at[cidx_v], crows_v, sem).wait()
            pltpu.sync_copy(crows_v, gout.at[pl.ds(off, CCH)])
            return carry

        lax.fori_loop(0, c_per // CCH, cbody, 0)

        def pbody(i, carry):
            off = pbase + i * PCH
            pltpu.sync_copy(pi_h.at[pl.ds(off, PCH)], pidx_v)
            pltpu.async_copy(ptab_h.at[pidx_v], prows_v, sem).wait()
            pltpu.sync_copy(prows_v, pout.at[pl.ds(off, PCH)])
            return carry

        lax.fori_loop(0, p_per // PCH, pbody, 0)

    return k(ctab, ptab, cidx, pidx)


def _bdot(a, b):
    return lax.dot_general(a.astype(jnp.bfloat16), b,
                           (((1,), (0,)), ((), ())),
                           preferred_element_type=jnp.float32)


def _split3(t):
    t0 = t.astype(jnp.bfloat16)
    r1 = t - t0.astype(jnp.float32)
    t1 = r1.astype(jnp.bfloat16)
    t2 = (r1 - t1.astype(jnp.float32)).astype(jnp.bfloat16)
    return t0, t1, t2


def _proj_body(g_ref, p_ref, r_ref, w_ref, o_ref):
    csum = g_ref[0, 0] + g_ref[1, 0] + g_ref[2, 0] + g_ref[3, 0]
    cnt = jnp.sum((r_ref[0] != 0).astype(jnp.float32), axis=1, keepdims=True)
    div = jnp.where(cnt == 0.0, 1.0, cnt)
    v = jnp.concatenate([csum / div, p_ref[0]], axis=1)
    o_ref[0] = _bdot(v, w_ref[...])


def _projections(G4, P3, rci3, Wbig):
    return pl.pallas_call(
        _proj_body,
        grid=(S,),
        in_specs=[
            pl.BlockSpec((MAXC, 1, B, DIM), lambda i: (0, i, 0, 0)),
            pl.BlockSpec((1, B, DIM), lambda i: (i, 0, 0)),
            pl.BlockSpec((1, B, MAXC), lambda i: (i, 0, 0)),
            pl.BlockSpec((2 * DIM, NBIG), lambda i: (0, 0)),
        ],
        out_specs=pl.BlockSpec((1, B, NBIG), lambda i: (i, 0, 0)),
        out_shape=jax.ShapeDtypeStruct((S, B, NBIG), jnp.float32),
    )(G4, P3, rci3, Wbig)


def _gumbel_argmax(lvls, eg):
    iota = lax.broadcasted_iota(jnp.int32, (B, PADL), 1)
    m = jnp.max(lvls, axis=1, keepdims=True)
    e = jnp.exp(lvls - m)
    t = 1e-9 * jnp.sum(e, axis=1, keepdims=True)
    u = (e + t) * eg
    mx = jnp.max(u, axis=1, keepdims=True)
    fidx = jnp.min(jnp.where(u == mx, iota, PADL), axis=1, keepdims=True)
    return (iota == fidx).astype(jnp.float32)


def _seq_body(vw_ref, gc_ref, ga_ref, op_ref, sr_ref, hw_ref, uh_ref, t0_ref,
              t1_ref, t2_ref, cd_ref, bc_ref, bs_ref, bz_ref, br_ref, bh_ref,
              pred_ref, rew_ref, h_ref):
    t = pl.program_id(0)

    @pl.when(t == 0)
    def _():
        h_ref[...] = jnp.zeros((B, DIM), jnp.float32)

    h = h_ref[...]
    hall = _bdot(h, hw_ref[...])
    vw = vw_ref[0]
    small = vw[:, 2 * NW1:]

    lcog = small[:, 0:16] + hall[:, 0:16] + bc_ref[...]
    oh1 = _gumbel_argmax(lcog, gc_ref[0])

    cogsel = jnp.sum(oh1 * cd_ref[...], axis=1, keepdims=True)
    logits = small[:, 80:81] + hall[:, 80:81] + cogsel
    o = (logits > 0.0).astype(jnp.float32)

    ls_pos = (small[:, 16:32] + small[:, 32:48]
              + hall[:, 16:32] + hall[:, 32:48])
    ls_neg = (small[:, 48:64] + small[:, 64:80]
              + hall[:, 48:64] + hall[:, 64:80])
    ls = jnp.where(o > 0.0, ls_pos, ls_neg) + bs_ref[...]
    oh2 = _gumbel_argmax(ls, ga_ref[0])

    ohc = jnp.concatenate([oh2 * (1.0 - o), oh2 * o], axis=1)
    ohc_bf = ohc.astype(jnp.bfloat16)
    aw = (lax.dot_general(ohc_bf, t0_ref[...], (((1,), (0,)), ((), ())),
                          preferred_element_type=jnp.float32)
          + lax.dot_general(ohc_bf, t1_ref[...], (((1,), (0,)), ((), ())),
                            preferred_element_type=jnp.float32)
          + lax.dot_general(ohc_bf, t2_ref[...], (((1,), (0,)), ((), ())),
                            preferred_element_type=jnp.float32))
    xin = jnp.where(o > 0.0, vw[:, :NW1], vw[:, NW1:2 * NW1]) + aw
    z = jax.nn.sigmoid(xin[:, :DIM] + hall[:, 128:384] + bz_ref[...])
    r = jax.nn.sigmoid(xin[:, DIM:2 * DIM] + hall[:, 384:640]
                       + br_ref[...])
    ht = jnp.tanh(xin[:, 2 * DIM:3 * DIM] + _bdot(r * h, uh_ref[...])
                  + bh_ref[...])
    h_ref[...] = (1.0 - z) * h + z * ht

    gt = (op_ref[0] > 0.5).astype(jnp.float32)
    pred_ref[0] = logits
    rew_ref[0] = (o == gt).astype(jnp.float32) * sr_ref[...]


def _sequence(VW, gcog16, gacq16, op3, seqr, HW, Uh, t0, t1, t2, cogdot16,
              bc16, bs16, bz1, br1, bh1):
    wspec = lambda shape: pl.BlockSpec(shape, lambda i: (0, 0))
    return pl.pallas_call(
        _seq_body,
        grid=(S,),
        in_specs=[
            pl.BlockSpec((1, B, NBIG), lambda i: (i, 0, 0)),
            pl.BlockSpec((1, B, PADL), lambda i: (i, 0, 0)),
            pl.BlockSpec((1, B, PADL), lambda i: (i, 0, 0)),
            pl.BlockSpec((1, B, 1), lambda i: (i, 0, 0)),
            wspec((B, 1)),
            wspec((DIM, NHPAD)),
            wspec((DIM, DIM)),
            wspec((2 * PADL, NW1)),
            wspec((2 * PADL, NW1)),
            wspec((2 * PADL, NW1)),
            wspec((1, PADL)),
            wspec((1, PADL)),
            wspec((1, PADL)),
            wspec((1, DIM)),
            wspec((1, DIM)),
            wspec((1, DIM)),
        ],
        out_specs=[
            pl.BlockSpec((1, B, 1), lambda i: (i, 0, 0)),
            pl.BlockSpec((1, B, 1), lambda i: (i, 0, 0)),
        ],
        out_shape=[
            jax.ShapeDtypeStruct((S, B, 1), jnp.float32),
            jax.ShapeDtypeStruct((S, B, 1), jnp.float32),
        ],
        scratch_shapes=[pltpu.VMEM((B, DIM), jnp.float32)],
    )(VW, gcog16, gacq16, op3, seqr, HW, Uh, t0, t1, t2, cogdot16,
      bc16, bs16, bz1, br1, bh1)


def _pad16(m):
    return jnp.pad(m, ((0, 0), (0, PADL - NLEV)))


def kernel(prob_ids, related_concept_index, operate, seq_num, concept_emb,
           prob_emb, cog_matrix, acq_matrix, W_cog, b_cog, W_sens, b_sens,
           W_pred, b_pred, Wz, Uz, bz, Wr, Ur, br, Wh, Uh, bh):
    f32 = jnp.float32
    bf16 = jnp.bfloat16

    ctab = jnp.concatenate([jnp.zeros((1, DIM), f32), concept_emb], axis=0)
    ptab = jnp.concatenate([jnp.zeros((1, DIM), f32), prob_emb], axis=0)
    rci = related_concept_index.astype(jnp.int32)
    cidx = rci.transpose(2, 0, 1).reshape(-1)
    pidx = prob_ids.astype(jnp.int32).reshape(-1)

    Wz1, Wz2 = Wz[:2 * DIM], Wz[2 * DIM:]
    Wr1, Wr2 = Wr[:2 * DIM], Wr[2 * DIM:]
    Wh1, Wh2 = Wh[:2 * DIM], Wh[2 * DIM:]
    W1 = jnp.concatenate([Wz1, Wr1, Wh1], axis=1)
    W2 = jnp.concatenate([Wz2, Wr2, Wh2], axis=1)
    Wc_v, Wc_h = W_cog[:2 * DIM], W_cog[2 * DIM:]
    Ws1, Ws2 = W_sens[:NW1], W_sens[NW1:2 * NW1]
    Ws3, Ws4 = W_sens[2 * NW1:3 * NW1], W_sens[3 * NW1:]
    Wp_h, Wp_v, Wp_c = W_pred[:DIM], W_pred[DIM:3 * DIM], W_pred[3 * DIM:]

    small = jnp.concatenate(
        [_pad16(Wc_v), _pad16(Ws1[DIM:]), _pad16(Ws3[DIM:]),
         _pad16(Ws2[DIM:]), _pad16(Ws4[DIM:]), Wp_v,
         jnp.zeros((2 * DIM, 128 - 5 * PADL - 1), f32)], axis=1)
    Wbig = jnp.concatenate([W1, W2, small], axis=1).astype(bf16)

    HW = jnp.concatenate(
        [_pad16(Wc_h), _pad16(Ws1[:DIM]), _pad16(Ws3[:DIM]),
         _pad16(Ws2[:DIM]), _pad16(Ws4[:DIM]), Wp_h,
         jnp.zeros((DIM, 128 - 5 * PADL - 1), f32), Uz, Ur],
        axis=1).astype(bf16)
    Uh_bf = Uh.astype(bf16)

    acq_bf = acq_matrix.astype(bf16)
    acqW1 = jnp.concatenate(
        [jnp.dot(acq_bf, W1.astype(bf16), preferred_element_type=f32),
         jnp.zeros((PADL - NLEV, NW1), f32)], axis=0)
    acqW2 = jnp.concatenate(
        [jnp.dot(acq_bf, W2.astype(bf16), preferred_element_type=f32),
         jnp.zeros((PADL - NLEV, NW1), f32)], axis=0)
    at0, at1, at2 = _split3(jnp.concatenate([acqW1, acqW2], axis=0))
    cogdot16 = jnp.concatenate(
        [jnp.dot(cog_matrix.astype(bf16), Wp_c.astype(bf16),
                 preferred_element_type=f32) + b_pred[0],
         jnp.zeros((PADL - NLEV, 1), f32)], axis=0).reshape(1, PADL)

    padneg = jnp.full((1, PADL - NLEV), NEG, f32)
    bc16 = jnp.concatenate([b_cog.reshape(1, NLEV), padneg], axis=1)
    bs16 = jnp.concatenate([b_sens.reshape(1, NLEV), padneg], axis=1)
    bz1, br1, bh1 = bz.reshape(1, DIM), br.reshape(1, DIM), bh.reshape(1, DIM)

    skey = jax.random.key(42)
    ks = jax.vmap(lambda i: jax.random.fold_in(skey, i))(jnp.arange(2 * S))
    g = jax.vmap(lambda k: jax.random.gumbel(k, (B, NLEV), f32))(ks)
    gpad = jnp.zeros((2 * S, B, PADL - NLEV), f32)
    g16 = jnp.concatenate([jnp.exp(g), gpad], axis=2)
    gcog16 = g16[0::2]
    gacq16 = g16[1::2]

    G, P = _sc_gather(ctab, ptab, cidx, pidx)
    G4 = G.reshape(MAXC, S, B, DIM)
    P3 = P.reshape(S, B, DIM)

    VW = _projections(G4, P3, rci, Wbig)

    seqr = (1.0 / seq_num.astype(f32)).reshape(B, 1)
    pred, rew = _sequence(VW, gcog16, gacq16, operate, seqr, HW, Uh_bf,
                          at0, at1, at2, cogdot16, bc16, bs16, bz1, br1, bh1)

    logits_tensor = pred[:, :, 0].T
    reward_tensor = rew[:, :, 0].T
    return logits_tensor, reward_tensor

# --- scband reference (transcript-rebuilt; emitter-appended) ---
"""Pipeline reference for scband-iekt-c-78580721648118 (READ-ONLY COPY).

The authoritative reference and input builder live on the scoring server;
editing this copy changes nothing except your own understanding.
"""

import jax, jax.numpy as jnp
import numpy as np

DIM = 256
B = 128
S = 100
CONCEPT_NUM = 500
MAX_C = 4
COG_LEVELS = 10
ACQ_LEVELS = 10
PROB_NUM = 2164


def setup_inputs(seed: int = 0):
    key = jax.random.key(seed)
    ks = jax.random.split(key, 24)
    sc = 0.05
    inp = {}
    inp['prob_ids'] = jax.random.randint(ks[0], (S, B), 0, PROB_NUM)
    inp['related_concept_index'] = jax.random.randint(ks[1], (S, B, MAX_C), 0, CONCEPT_NUM)
    inp['operate'] = jax.random.uniform(ks[2], (S, B, 1), dtype=jnp.float32)
    inp['seq_num'] = jax.random.randint(ks[3], (B,), 1, S + 1)
    inp['concept_emb'] = jax.random.normal(ks[4], (CONCEPT_NUM - 1, DIM), dtype=jnp.float32)
    inp['prob_emb'] = jax.random.normal(ks[5], (PROB_NUM - 1, DIM), dtype=jnp.float32)
    inp['cog_matrix'] = jax.random.normal(ks[6], (COG_LEVELS, DIM * 2), dtype=jnp.float32)
    inp['acq_matrix'] = jax.random.normal(ks[7], (ACQ_LEVELS, DIM * 2), dtype=jnp.float32)
    inp['W_cog'] = jax.random.normal(ks[8], (DIM * 3, COG_LEVELS), dtype=jnp.float32) * sc
    inp['b_cog'] = jnp.zeros((COG_LEVELS,), jnp.float32)
    inp['W_sens'] = jax.random.normal(ks[9], (DIM * 12, ACQ_LEVELS), dtype=jnp.float32) * sc
    inp['b_sens'] = jnp.zeros((ACQ_LEVELS,), jnp.float32)
    inp['W_pred'] = jax.random.normal(ks[10], (DIM * 5, 1), dtype=jnp.float32) * sc
    inp['b_pred'] = jnp.zeros((1,), jnp.float32)
    inp['Wz'] = jax.random.normal(ks[11], (DIM * 4, DIM), dtype=jnp.float32) * sc
    inp['Uz'] = jax.random.normal(ks[12], (DIM, DIM), dtype=jnp.float32) * sc
    inp['bz'] = jnp.zeros((DIM,), jnp.float32)
    inp['Wr'] = jax.random.normal(ks[13], (DIM * 4, DIM), dtype=jnp.float32) * sc
    inp['Ur'] = jax.random.normal(ks[14], (DIM, DIM), dtype=jnp.float32) * sc
    inp['br'] = jnp.zeros((DIM,), jnp.float32)
    inp['Wh'] = jax.random.normal(ks[15], (DIM * 4, DIM), dtype=jnp.float32) * sc
    inp['Uh'] = jax.random.normal(ks[16], (DIM, DIM), dtype=jnp.float32) * sc
    inp['bh'] = jnp.zeros((DIM,), jnp.float32)
    return inp


def _forward(prob_ids, related_concept_index, operate, seq_num, concept_emb, prob_emb,
             cog_matrix, acq_matrix, W_cog, b_cog, W_sens, b_sens, W_pred, b_pred,
             Wz, Uz, bz, Wr, Ur, br, Wh, Uh, bh):
    S_, B_ = prob_ids.shape
    dim = concept_emb.shape[1]
    concepts_cat = jnp.concatenate([jnp.zeros((1, dim), concept_emb.dtype), concept_emb], axis=0)
    prob_cat = jnp.concatenate([jnp.zeros((1, dim), prob_emb.dtype), prob_emb], axis=0)
    op_bin = (operate > 0.5).astype(jnp.float32)

    def gru(xin, h):
        z = jax.nn.sigmoid(xin @ Wz + h @ Uz + bz)
        r = jax.nn.sigmoid(xin @ Wr + h @ Ur + br)
        ht = jnp.tanh(xin @ Wh + (r * h) @ Uh + bh)
        return (1.0 - z) * h + z * ht

    h = jnp.zeros((B_, dim), jnp.float32)
    skey = jax.random.key(42)
    predict_list = []
    reward_list = []
    for t in range(S_):
        rci = related_concept_index[t]
        filt = (rci != 0).astype(jnp.float32)
        related = concepts_cat[rci]
        fsum = jnp.sum(filt, axis=1)
        div = jnp.where(fsum == 0, 1.0, fsum)[:, None]
        concept_level_rep = jnp.sum(related, axis=1) / div
        item_emb = prob_cat[prob_ids[t]]
        v = jnp.concatenate([concept_level_rep, item_emb], axis=1)
        ques_h = jnp.concatenate([v, h], axis=1)
        pi_cog = jax.nn.softmax(ques_h @ W_cog + b_cog, axis=1)
        emb_ap = jax.random.categorical(jax.random.fold_in(skey, 2 * t), jnp.log(pi_cog + 1e-9), axis=1)
        emb_p = cog_matrix[emb_ap]
        h_v = jnp.concatenate([h, v], axis=1)
        logits = jnp.concatenate([h_v, emb_p], axis=1) @ W_pred + b_pred
        prob = jax.nn.sigmoid(logits)
        out_op = (prob > 0.5).astype(jnp.float32)
        out_x_logits = jnp.concatenate([h_v * out_op, h_v * (1.0 - out_op)], axis=1)
        out_x = jnp.concatenate([out_x_logits, out_x_logits], axis=1)
        pi_sens = jax.nn.softmax(out_x @ W_sens + b_sens, axis=1)
        emb_a = jax.random.categorical(jax.random.fold_in(skey, 2 * t + 1), jnp.log(pi_sens + 1e-9), axis=1)
        emb = acq_matrix[emb_a]
        v_cat = jnp.concatenate([v * out_op, v * (1.0 - out_op)], axis=1)
        e_cat = jnp.concatenate([emb * (1.0 - out_op), emb * out_op], axis=1)
        h = gru(v_cat + e_cat, h)
        gt = op_bin[t][:, 0]
        reward_list.append((out_op[:, 0] == gt).astype(jnp.float32))
        predict_list.append(logits[:, 0])
    logits_tensor = jnp.stack(predict_list, axis=1)
    reward_tensor = jnp.stack(reward_list, axis=1) / seq_num[:, None].astype(jnp.float32)
    return logits_tensor, reward_tensor


def reference(prob_ids, related_concept_index, operate, seq_num, concept_emb, prob_emb,
              cog_matrix, acq_matrix, W_cog, b_cog, W_sens, b_sens, W_pred, b_pred,
              Wz, Uz, bz, Wr, Ur, br, Wh, Uh, bh):
    return _forward(prob_ids, related_concept_index, operate, seq_num, concept_emb, prob_emb,
                    cog_matrix, acq_matrix, W_cog, b_cog, W_sens, b_sens, W_pred, b_pred,
                    Wz, Uz, bz, Wr, Ur, br, Wh, Uh, bh)

if __name__ == "__main__":
    import jax
    _d = setup_inputs()
    print(jax.jit(kernel)(*tuple(_d.values())))

</pallas_src>

<mosaic_0001>
#map = affine_map<(d0, d1) -> (0, 0)>
#map1 = affine_map<(d0, d1) -> (0)>
module attributes {stable_mosaic.version = 14 : i64} {
  func.func @k(%arg0: i32, %arg1: i32, %arg2: memref<500x256xf32, #tpu.memory_space<hbm>>, %arg3: memref<2164x256xf32, #tpu.memory_space<hbm>>, %arg4: memref<51200xi32, #tpu.memory_space<hbm>>, %arg5: memref<12800xi32, #tpu.memory_space<hbm>>, %arg6: memref<51200x256xf32, #tpu.memory_space<hbm>>, %arg7: memref<12800x256xf32, #tpu.memory_space<hbm>>, %arg8: memref<160xi32, #tpu.memory_space<vmem>>, %arg9: memref<160x256xf32, #tpu.memory_space<vmem>>, %arg10: memref<80xi32, #tpu.memory_space<vmem>>, %arg11: memref<80x256xf32, #tpu.memory_space<vmem>>, %arg12: memref<!tpu.dma_semaphore, #tpu.memory_space<semaphore_mem>>) attributes {dimension_semantics = [#tpu.dimension_semantics<core_parallel>, #tpu.dimension_semantics<subcore_parallel>], iteration_bounds = array<i64: 2, 16>, scalar_prefetch = 0 : i64, scratch_operands = 5 : i64, tpu.core_type = #tpu.core_type<sc_vector_subcore>, window_params = [{transform_indices = #map}, {transform_indices = #map}, {transform_indices = #map1}, {transform_indices = #map1}, {transform_indices = #map}, {transform_indices = #map}]} {
    %mul3A = arith.constant 2 : i32
    %mul3A_0 = arith.muli %arg1, %mul3A : i32
    %add3A = arith.addi %mul3A_0, %arg0 : i32
    %mul3A_1 = arith.constant 1600 : i32
    %mul3A_2 = arith.muli %add3A, %mul3A_1 : i32
    %mul3A_3 = arith.constant 400 : i32
    %mul3A_4 = arith.muli %add3A, %mul3A_3 : i32
    %scan3A = arith.constant 0 : i32
    %scan3A_5 = arith.constant 0 : i32
    %scan3A_6 = arith.constant 10 : i32
    %scan3A_7 = arith.addi %scan3A_5, %scan3A_6 : i32
    %scan3A_8 = arith.constant 1 : i32
    scf.for %scan3A_16 = %scan3A_5 to %scan3A_7 step %scan3A_8  : i32 {
      %mul3A_17 = arith.constant 160 : i32
      %mul3A_18 = arith.muli %scan3A_16, %mul3A_17 : i32
      %add3A_19 = arith.addi %mul3A_2, %mul3A_18 : i32
      "tpu.region"() ({
        %run_scoped3A = tpu.sem_alloc : memref<!tpu.dma_semaphore, #tpu.memory_space<semaphore_mem>>
        %dma_start3A_24 = tpu.memref_slice %arg4[%add3A_19] : memref<51200xi32, #tpu.memory_space<hbm>> -> memref<160xi32, #tpu.memory_space<hbm>>
        %dma_start3A_25 = tpu.memref_slice %arg4[%add3A_19] : memref<51200xi32, #tpu.memory_space<hbm>> -> memref<160xi32, #tpu.memory_space<hbm>>
        tpu.enqueue_dma source(%dma_start3A_25 : memref<160xi32, #tpu.memory_space<hbm>>) target(%arg8 : memref<160xi32, #tpu.memory_space<vmem>>) target_semaphore(%run_scoped3A : memref<!tpu.dma_semaphore, #tpu.memory_space<semaphore_mem>>)
        %dma_wait3A_26 = tpu.memref_slice %arg4[%add3A_19] : memref<51200xi32, #tpu.memory_space<hbm>> -> memref<160xi32, #tpu.memory_space<hbm>>
        %dma_wait3A_27 = tpu.memref_slice %arg4[%add3A_19] : memref<51200xi32, #tpu.memory_space<hbm>> -> memref<160xi32, #tpu.memory_space<hbm>>
        tpu.wait_dma2 semaphore(%run_scoped3A : memref<!tpu.dma_semaphore, #tpu.memory_space<semaphore_mem>>) src(%dma_wait3A_27 : memref<160xi32, #tpu.memory_space<hbm>>) dst(%arg8 : memref<160xi32, #tpu.memory_space<vmem>>)
        tpu.yield
      }) : () -> ()
      %dma_start3A = arith.constant 0 : i32
      %dma_start3A_20 = arith.constant 0 : i32
      %dma_start3A_21 = tpu.memref_slice %arg2[%dma_start3A, %dma_start3A_20] : memref<500x256xf32, #tpu.memory_space<hbm>> -> memref<500x256xf32, #tpu.memory_space<hbm>>
      tpu.enqueue_indirect_dma source(%dma_start3A_21 : memref<500x256xf32, #tpu.memory_space<hbm>>) target(%arg9 : memref<160x256xf32, #tpu.memory_space<vmem>>) offsets(%arg8 : memref<160xi32, #tpu.memory_space<vmem>>) semaphore(%arg12 : memref<!tpu.dma_semaphore, #tpu.memory_space<semaphore_mem>>)
      %dma_wait3A = arith.constant 0 : i32
      %dma_wait3A_22 = arith.constant 0 : i32
      %dma_wait3A_23 = tpu.memref_slice %arg2[%dma_wait3A, %dma_wait3A_22] : memref<500x256xf32, #tpu.memory_space<hbm>> -> memref<500x256xf32, #tpu.memory_space<hbm>>
      tpu.wait_indirect_dma semaphore(%arg12 : memref<!tpu.dma_semaphore, #tpu.memory_space<semaphore_mem>>) src(%dma_wait3A_23 : memref<500x256xf32, #tpu.memory_space<hbm>>) dst(%arg9 : memref<160x256xf32, #tpu.memory_space<vmem>>)
      "tpu.region"() ({
        %run_scoped3A = tpu.sem_alloc : memref<!tpu.dma_semaphore, #tpu.memory_space<semaphore_mem>>
        %dma_start3A_24 = arith.constant 0 : i32
        %dma_start3A_25 = tpu.memref_slice %arg6[%add3A_19, %dma_start3A_24] : memref<51200x256xf32, #tpu.memory_space<hbm>> -> memref<160x256xf32, #tpu.memory_space<hbm>>
        %dma_start3A_26 = arith.constant 0 : i32
        %dma_start3A_27 = tpu.memref_slice %arg6[%add3A_19, %dma_start3A_26] : memref<51200x256xf32, #tpu.memory_space<hbm>> -> memref<160x256xf32, #tpu.memory_space<hbm>>
        tpu.enqueue_dma source(%arg9 : memref<160x256xf32, #tpu.memory_space<vmem>>) target(%dma_start3A_27 : memref<160x256xf32, #tpu.memory_space<hbm>>) target_semaphore(%run_scoped3A : memref<!tpu.dma_semaphore, #tpu.memory_space<semaphore_mem>>)
        %dma_wait3A_28 = arith.constant 0 : i32
        %dma_wait3A_29 = tpu.memref_slice %arg6[%add3A_19, %dma_wait3A_28] : memref<51200x256xf32, #tpu.memory_space<hbm>> -> memref<160x256xf32, #tpu.memory_space<hbm>>
        %dma_wait3A_30 = arith.constant 0 : i32
        %dma_wait3A_31 = tpu.memref_slice %arg6[%add3A_19, %dma_wait3A_30] : memref<51200x256xf32, #tpu.memory_space<hbm>> -> memref<160x256xf32, #tpu.memory_space<hbm>>
        tpu.wait_dma2 semaphore(%run_scoped3A : memref<!tpu.dma_semaphore, #tpu.memory_space<semaphore_mem>>) src(%arg9 : memref<160x256xf32, #tpu.memory_space<vmem>>) dst(%dma_wait3A_31 : memref<160x256xf32, #tpu.memory_space<hbm>>)
        tpu.yield
      }) : () -> ()
    }
    %scan3A_9 = arith.constant 10 : i32
    %scan3A_10 = arith.constant 0 : i32
    %scan3A_11 = arith.constant 0 : i32
    %scan3A_12 = arith.constant 5 : i32
    %scan3A_13 = arith.addi %scan3A_11, %scan3A_12 : i32
    %scan3A_14 = arith.constant 1 : i32
    scf.for %scan3A_16 = %scan3A_11 to %scan3A_13 step %scan3A_14  : i32 {
      %mul3A_17 = arith.constant 80 : i32
      %mul3A_18 = arith.muli %scan3A_16, %mul3A_17 : i32
      %add3A_19 = arith.addi %mul3A_4, %mul3A_18 : i32
      "tpu.region"() ({
        %run_scoped3A = tpu.sem_alloc : memref<!tpu.dma_semaphore, #tpu.memory_space<semaphore_mem>>
        %dma_start3A_24 = tpu.memref_slice %arg5[%add3A_19] : memref<12800xi32, #tpu.memory_space<hbm>> -> memref<80xi32, #tpu.memory_space<hbm>>
        %dma_start3A_25 = tpu.memref_slice %arg5[%add3A_19] : memref<12800xi32, #tpu.memory_space<hbm>> -> memref<80xi32, #tpu.memory_space<hbm>>
        tpu.enqueue_dma source(%dma_start3A_25 : memref<80xi32, #tpu.memory_space<hbm>>) target(%arg10 : memref<80xi32, #tpu.memory_space<vmem>>) target_semaphore(%run_scoped3A : memref<!tpu.dma_semaphore, #tpu.memory_space<semaphore_mem>>)
        %dma_wait3A_26 = tpu.memref_slice %arg5[%add3A_19] : memref<12800xi32, #tpu.memory_space<hbm>> -> memref<80xi32, #tpu.memory_space<hbm>>
        %dma_wait3A_27 = tpu.memref_slice %arg5[%add3A_19] : memref<12800xi32, #tpu.memory_space<hbm>> -> memref<80xi32, #tpu.memory_space<hbm>>
        tpu.wait_dma2 semaphore(%run_scoped3A : memref<!tpu.dma_semaphore, #tpu.memory_space<semaphore_mem>>) src(%dma_wait3A_27 : memref<80xi32, #tpu.memory_space<hbm>>) dst(%arg10 : memref<80xi32, #tpu.memory_space<vmem>>)
        tpu.yield
      }) : () -> ()
      %dma_start3A = arith.constant 0 : i32
      %dma_start3A_20 = arith.constant 0 : i32
      %dma_start3A_21 = tpu.memref_slice %arg3[%dma_start3A, %dma_start3A_20] : memref<2164x256xf32, #tpu.memory_space<hbm>> -> memref<2164x256xf32, #tpu.memory_space<hbm>>
      tpu.enqueue_indirect_dma source(%dma_start3A_21 : memref<2164x256xf32, #tpu.memory_space<hbm>>) target(%arg11 : memref<80x256xf32, #tpu.memory_space<vmem>>) offsets(%arg10 : memref<80xi32, #tpu.memory_space<vmem>>) semaphore(%arg12 : memref<!tpu.dma_semaphore, #tpu.memory_space<semaphore_mem>>)
      %dma_wait3A = arith.constant 0 : i32
      %dma_wait3A_22 = arith.constant 0 : i32
      %dma_wait3A_23 = tpu.memref_slice %arg3[%dma_wait3A, %dma_wait3A_22] : memref<2164x256xf32, #tpu.memory_space<hbm>> -> memref<2164x256xf32, #tpu.memory_space<hbm>>
      tpu.wait_indirect_dma semaphore(%arg12 : memref<!tpu.dma_semaphore, #tpu.memory_space<semaphore_mem>>) src(%dma_wait3A_23 : memref<2164x256xf32, #tpu.memory_space<hbm>>) dst(%arg11 : memref<80x256xf32, #tpu.memory_space<vmem>>)
      "tpu.region"() ({
        %run_scoped3A = tpu.sem_alloc : memref<!tpu.dma_semaphore, #tpu.memory_space<semaphore_mem>>
        %dma_start3A_24 = arith.constant 0 : i32
        %dma_start3A_25 = tpu.memref_slice %arg7[%add3A_19, %dma_start3A_24] : memref<12800x256xf32, #tpu.memory_space<hbm>> -> memref<80x256xf32, #tpu.memory_space<hbm>>
        %dma_start3A_26 = arith.constant 0 : i32
        %dma_start3A_27 = tpu.memref_slice %arg7[%add3A_19, %dma_start3A_26] : memref<12800x256xf32, #tpu.memory_space<hbm>> -> memref<80x256xf32, #tpu.memory_space<hbm>>
        tpu.enqueue_dma source(%arg11 : memref<80x256xf32, #tpu.memory_space<vmem>>) target(%dma_start3A_27 : memref<80x256xf32, #tpu.memory_space<hbm>>) target_semaphore(%run_scoped3A : memref<!tpu.dma_semaphore, #tpu.memory_space<semaphore_mem>>)
        %dma_wait3A_28 = arith.constant 0 : i32
        %dma_wait3A_29 = tpu.memref_slice %arg7[%add3A_19, %dma_wait3A_28] : memref<12800x256xf32, #tpu.memory_space<hbm>> -> memref<80x256xf32, #tpu.memory_space<hbm>>
        %dma_wait3A_30 = arith.constant 0 : i32
        %dma_wait3A_31 = tpu.memref_slice %arg7[%add3A_19, %dma_wait3A_30] : memref<12800x256xf32, #tpu.memory_space<hbm>> -> memref<80x256xf32, #tpu.memory_space<hbm>>
        tpu.wait_dma2 semaphore(%run_scoped3A : memref<!tpu.dma_semaphore, #tpu.memory_space<semaphore_mem>>) src(%arg11 : memref<80x256xf32, #tpu.memory_space<vmem>>) dst(%dma_wait3A_31 : memref<80x256xf32, #tpu.memory_space<hbm>>)
        tpu.yield
      }) : () -> ()
    }
    %scan3A_15 = arith.constant 5 : i32
    return
  }
}

module attributes {stable_mosaic.version = 14 : i64} {
  func.func @_proj_body(%arg0: i32, %arg1: memref<4x1x128x256xf32, #tpu.memory_space<vmem>>, %arg2: memref<1x128x256xf32, #tpu.memory_space<vmem>>, %arg3: memref<1x128x4xi32, #tpu.memory_space<vmem>>, %arg4: memref<512x1664xbf16, #tpu.memory_space<vmem>>, %arg5: memref<1x128x1664xf32, #tpu.memory_space<vmem>>) attributes {dimension_semantics = [#tpu.dimension_semantics<arbitrary>], iteration_bounds = array<i64: 100>, scalar_prefetch = 0 : i64, scratch_operands = 0 : i64, tpu.core_type = #tpu.core_type<tc>, window_params = [{transform_indices = @transform_0, window_bounds = array<i64: 4, 1, 128, 256>}, {transform_indices = @transform_1, window_bounds = array<i64: 1, 128, 256>}, {transform_indices = @transform_2, window_bounds = array<i64: 1, 128, 4>}, {pipeline_mode = #tpu.pipeline_mode<synchronous>, transform_indices = @transform_3, window_bounds = array<i64: 512, 1664>}, {transform_indices = @transform_4, window_bounds = array<i64: 1, 128, 1664>}]} {
    %get3A = arith.constant 0 : index
    %get3A_0 = arith.constant 0 : index
    %get3A_1 = arith.constant 0 : index
    %get3A_2 = arith.constant 0 : index
    %get3A_3 = vector.load %arg1[%get3A, %get3A_0, %get3A_1, %get3A_2] : memref<4x1x128x256xf32, #tpu.memory_space<vmem>>, vector<1x1x128x256xf32>
    %get3A_4 = vector.shape_cast %get3A_3 : vector<1x1x128x256xf32> to vector<128x256xf32>
    %get3A_5 = arith.constant 1 : index
    %get3A_6 = arith.constant 0 : index
    %get3A_7 = arith.constant 0 : index
    %get3A_8 = arith.constant 0 : index
    %get3A_9 = vector.load %arg1[%get3A_5, %get3A_6, %get3A_7, %get3A_8] : memref<4x1x128x256xf32, #tpu.memory_space<vmem>>, vector<1x1x128x256xf32>
    %get3A_10 = vector.shape_cast %get3A_9 : vector<1x1x128x256xf32> to vector<128x256xf32>
    %add3A = arith.addf %get3A_4, %get3A_10 : vector<128x256xf32>
    %get3A_11 = arith.constant 2 : index
    %get3A_12 = arith.constant 0 : index
    %get3A_13 = arith.constant 0 : index
    %get3A_14 = arith.constant 0 : index
    %get3A_15 = vector.load %arg1[%get3A_11, %get3A_12, %get3A_13, %get3A_14] : memref<4x1x128x256xf32, #tpu.memory_space<vmem>>, vector<1x1x128x256xf32>
    %get3A_16 = vector.shape_cast %get3A_15 : vector<1x1x128x256xf32> to vector<128x256xf32>
    %add3A_17 = arith.addf %add3A, %get3A_16 : vector<128x256xf32>
    %get3A_18 = arith.constant 3 : index
    %get3A_19 = arith.constant 0 : index
    %get3A_20 = arith.constant 0 : index
    %get3A_21 = arith.constant 0 : index
    %get3A_22 = vector.load %arg1[%get3A_18, %get3A_19, %get3A_20, %get3A_21] : memref<4x1x128x256xf32, #tpu.memory_space<vmem>>, vector<1x1x128x256xf32>
    %get3A_23 = vector.shape_cast %get3A_22 : vector<1x1x128x256xf32> to vector<128x256xf32>
    %add3A_24 = arith.addf %add3A_17, %get3A_23 : vector<128x256xf32>
    %get3A_25 = arith.constant 0 : index
    %get3A_26 = arith.constant 0 : index
    %get3A_27 = arith.constant 0 : index
    %get3A_28 = vector.load %arg3[%get3A_25, %get3A_26, %get3A_27] : memref<1x128x4xi32, #tpu.memory_space<vmem>>, vector<1x128x4xi32>
    %get3A_29 = vector.shape_cast %get3A_28 : vector<1x128x4xi32> to vector<128x4xi32>
    %ne3A = arith.constant 0 : i32
    %ne3A_30 = vector.broadcast %ne3A : i32 to vector<128x4xi32>
    %ne3A_31 = arith.cmpi ne, %get3A_29, %ne3A_30 : vector<128x4xi32>
    %convert_element_type3A = arith.extui %ne3A_31 : vector<128x4xi1> to vector<128x4xi32>
    %convert_element_type3A_32 = arith.sitofp %convert_element_type3A : vector<128x4xi32> to vector<128x4xf32>
    %reduce_sum3A = arith.constant dense<0.000000e+00> : vector<128xf32>
    %reduce_sum3A_33 = vector.multi_reduction <add>, %convert_element_type3A_32, %reduce_sum3A [1] : vector<128x4xf32> to vector<128xf32>
    %broadcast_in_dim3A = vector.shape_cast %reduce_sum3A_33 : vector<128xf32> to vector<128x1xf32>
    %eq3A = arith.constant 0.000000e+00 : f32
    %eq3A_34 = vector.broadcast %eq3A : f32 to vector<128x1xf32>
    %eq3A_35 = arith.cmpf oeq, %broadcast_in_dim3A, %eq3A_34 : vector<128x1xf32>
    %jit3A = arith.constant 1.000000e+00 : f32
    %broadcast_in_dim3A_36 = vector.broadcast %jit3A : f32 to vector<128x1xf32>
    %select_n3A = arith.select %eq3A_35, %broadcast_in_dim3A_36, %broadcast_in_dim3A : vector<128x1xi1>, vector<128x1xf32>
    %div3A = vector.broadcast %select_n3A : vector<128x1xf32> to vector<128x256xf32>
    %div3A_37 = arith.divf %add3A_24, %div3A : vector<128x256xf32>
    %get3A_38 = arith.constant 0 : index
    %get3A_39 = arith.constant 0 : index
    %get3A_40 = arith.constant 0 : index
    %get3A_41 = vector.load %arg2[%get3A_38, %get3A_39, %get3A_40] : memref<1x128x256xf32, #tpu.memory_space<vmem>>, vector<1x128x256xf32>
    %get3A_42 = vector.shape_cast %get3A_41 : vector<1x128x256xf32> to vector<128x256xf32>
    %concatenate3A = tpu.concatenate %div3A_37, %get3A_42 in 1 : vector<128x256xf32>, vector<128x256xf32> -> vector<128x512xf32>
    %get3A_43 = arith.constant 0 : index
    %get3A_44 = arith.constant 0 : index
    %get3A_45 = vector.load %arg4[%get3A_43, %get3A_44] : memref<512x1664xbf16, #tpu.memory_space<vmem>>, vector<512x1664xbf16>
    %convert_element_type3A_46 = arith.truncf %concatenate3A : vector<128x512xf32> to vector<128x512xbf16>
    %dot_general3A = arith.constant dense<0.000000e+00> : vector<128x1664xf32>
    %dot_general3A_47 = tpu.matmul %convert_element_type3A_46, %get3A_45, %dot_general3A {dimension_numbers = #tpu.dot_dimension_numbers<[1], [0], [0], [1], [0, 0, 1, 1], [], []>, transpose_lhs_hint = false} : vector<128x512xbf16>, vector<512x1664xbf16>, vector<128x1664xf32> -> vector<128x1664xf32>
    %swap3A = arith.constant 0 : index
    %swap3A_48 = arith.constant 0 : index
    %swap3A_49 = arith.constant 0 : index
    %swap3A_50 = vector.load %arg5[%swap3A, %swap3A_48, %swap3A_49] : memref<1x128x1664xf32, #tpu.memory_space<vmem>>, vector<1x128x1664xf32>
    %swap3A_51 = vector.shape_cast %swap3A_50 : vector<1x128x1664xf32> to vector<128x1664xf32>
    %swap3A_52 = vector.shape_cast %dot_general3A_47 : vector<128x1664xf32> to vector<1x128x1664xf32>
    tpu.vector_store %arg5[%swap3A, %swap3A_48, %swap3A_49], %swap3A_52 {strides = array<i32>} : memref<1x128x1664xf32, #tpu.memory_space<vmem>>, vector<1x128x1664xf32>,
    return
  }
  func.func @transform_0(%arg0: i32) -> (i32, i32, i32, i32) {
    %c0_i32 = arith.constant 0 : i32
    %c0_i32_0 = arith.constant 0 : i32
    %c0_i32_1 = arith.constant 0 : i32
    %c0_i32_2 = arith.constant 0 : i32
    return %c0_i32, %arg0, %c0_i32_0, %c0_i32_1 : i32, i32, i32, i32
  }
  func.func @transform_1(%arg0: i32) -> (i32, i32, i32) {
    %c0_i32 = arith.constant 0 : i32
    %c0_i32_0 = arith.constant 0 : i32
    %c0_i32_1 = arith.constant 0 : i32
    return %arg0, %c0_i32, %c0_i32_0 : i32, i32, i32
  }
  func.func @transform_2(%arg0: i32) -> (i32, i32, i32) {
    %c0_i32 = arith.constant 0 : i32
    %c0_i32_0 = arith.constant 0 : i32
    %c0_i32_1 = arith.constant 0 : i32
    return %arg0, %c0_i32, %c0_i32_0 : i32, i32, i32
  }
  func.func @transform_3(%arg0: i32) -> (i32, i32) {
    %c0_i32 = arith.constant 0 : i32
    %c0_i32_0 = arith.constant 0 : i32
    %c0_i32_1 = arith.constant 0 : i32
    return %c0_i32, %c0_i32_0 : i32, i32
  }
  func.func @transform_4(%arg0: i32) -> (i32, i32, i32) {
    %c0_i32 = arith.constant 0 : i32
    %c0_i32_0 = arith.constant 0 : i32
    %c0_i32_1 = arith.constant 0 : i32
    return %arg0, %c0_i32, %c0_i32_0 : i32, i32, i32
  }
}

module attributes {stable_mosaic.version = 14 : i64} {
  func.func @_seq_body(%arg0: i32, %arg1: memref<1x128x1664xf32, #tpu.memory_space<vmem>>, %arg2: memref<1x128x16xf32, #tpu.memory_space<vmem>>, %arg3: memref<1x128x16xf32, #tpu.memory_space<vmem>>, %arg4: memref<1x128x1xf32, #tpu.memory_space<vmem>>, %arg5: memref<128x1xf32, #tpu.memory_space<vmem>>, %arg6: memref<256x640xbf16, #tpu.memory_space<vmem>>, %arg7: memref<256x256xbf16, #tpu.memory_space<vmem>>, %arg8: memref<32x768xbf16, #tpu.memory_space<vmem>>, %arg9: memref<32x768xbf16, #tpu.memory_space<vmem>>, %arg10: memref<32x768xbf16, #tpu.memory_space<vmem>>, %arg11: memref<1x16xf32, #tpu.memory_space<vmem>>, %arg12: memref<1x16xf32, #tpu.memory_space<vmem>>, %arg13: memref<1x16xf32, #tpu.memory_space<vmem>>, %arg14: memref<1x256xf32, #tpu.memory_space<vmem>>, %arg15: memref<1x256xf32, #tpu.memory_space<vmem>>, %arg16: memref<1x256xf32, #tpu.memory_space<vmem>>, %arg17: memref<1x128x1xf32, #tpu.memory_space<vmem>>, %arg18: memref<1x128x1xf32, #tpu.memory_space<vmem>>, %arg19: memref<128x256xf32, #tpu.memory_space<vmem>>) attributes {dimension_semantics = [#tpu.dimension_semantics<arbitrary>], iteration_bounds = array<i64: 100>, scalar_prefetch = 0 : i64, scratch_operands = 1 : i64, tpu.core_type = #tpu.core_type<tc>, window_params = [{transform_indices = @transform_0, window_bounds = array<i64: 1, 128, 1664>}, {transform_indices = @transform_1, window_bounds = array<i64: 1, 128, 16>}, {transform_indices = @transform_2, window_bounds = array<i64: 1, 128, 16>}, {transform_indices = @transform_3, window_bounds = array<i64: 1, 128, 1>}, {pipeline_mode = #tpu.pipeline_mode<synchronous>, transform_indices = @transform_4, window_bounds = array<i64: 128, 1>}, {pipeline_mode = #tpu.pipeline_mode<synchronous>, transform_indices = @transform_5, window_bounds = array<i64: 256, 640>}, {pipeline_mode = #tpu.pipeline_mode<synchronous>, transform_indices = @transform_6, window_bounds = array<i64: 256, 256>}, {pipeline_mode = #tpu.pipeline_mode<synchronous>, transform_indices = @transform_7, window_bounds = array<i64: 32, 768>}, {pipeline_mode = #tpu.pipeline_mode<synchronous>, transform_indices = @transform_8, window_bounds = array<i64: 32, 768>}, {pipeline_mode = #tpu.pipeline_mode<synchronous>, transform_indices = @transform_9, window_bounds = array<i64: 32, 768>}, {pipeline_mode = #tpu.pipeline_mode<synchronous>, transform_indices = @transform_10, window_bounds = array<i64: 1, 16>}, {pipeline_mode = #tpu.pipeline_mode<synchronous>, transform_indices = @transform_11, window_bounds = array<i64: 1, 16>}, {pipeline_mode = #tpu.pipeline_mode<synchronous>, transform_indices = @transform_12, window_bounds = array<i64: 1, 16>}, {pipeline_mode = #tpu.pipeline_mode<synchronous>, transform_indices = @transform_13, window_bounds = array<i64: 1, 256>}, {pipeline_mode = #tpu.pipeline_mode<synchronous>, transform_indices = @transform_14, window_bounds = array<i64: 1, 256>}, {pipeline_mode = #tpu.pipeline_mode<synchronous>, transform_indices = @transform_15, window_bounds = array<i64: 1, 256>}, {transform_indices = @transform_16, window_bounds = array<i64: 1, 128, 1>}, {transform_indices = @transform_17, window_bounds = array<i64: 1, 128, 1>}]} {
    %eq3A = arith.constant 0 : i32
    %eq3A_0 = arith.cmpi eq, %arg0, %eq3A : i32
    %convert_element_type3A = arith.extui %eq3A_0 : i1 to i32
    %cond3A = arith.constant 0 : i32
    %cond3A_1 = arith.cmpi ne, %convert_element_type3A, %cond3A : i32
    scf.if %cond3A_1 {
      %broadcast_in_dim3A_236 = arith.constant 0.000000e+00 : f32
      %broadcast_in_dim3A_237 = vector.broadcast %broadcast_in_dim3A_236 : f32 to vector<128x256xf32>
      %swap3A_238 = arith.constant 0 : index
      %swap3A_239 = arith.constant 0 : index
      %swap3A_240 = vector.load %arg19[%swap3A_238, %swap3A_239] : memref<128x256xf32, #tpu.memory_space<vmem>>, vector<128x256xf32>
      tpu.vector_store %arg19[%swap3A_238, %swap3A_239], %broadcast_in_dim3A_237 {strides = array<i32>} : memref<128x256xf32, #tpu.memory_space<vmem>>, vector<128x256xf32>,
    } else {
    }
    %get3A = arith.constant 0 : index
    %get3A_2 = arith.constant 0 : index
    %get3A_3 = vector.load %arg19[%get3A, %get3A_2] : memref<128x256xf32, #tpu.memory_space<vmem>>, vector<128x256xf32>
    %get3A_4 = arith.constant 0 : index
    %get3A_5 = arith.constant 0 : index
    %get3A_6 = vector.load %arg6[%get3A_4, %get3A_5] : memref<256x640xbf16, #tpu.memory_space<vmem>>, vector<256x640xbf16>
    %convert_element_type3A_7 = arith.truncf %get3A_3 : vector<128x256xf32> to vector<128x256xbf16>
    %dot_general3A = arith.constant dense<0.000000e+00> : vector<128x640xf32>
    %dot_general3A_8 = tpu.matmul %convert_element_type3A_7, %get3A_6, %dot_general3A {dimension_numbers = #tpu.dot_dimension_numbers<[1], [0], [0], [1], [0, 0, 1, 1], [], []>, transpose_lhs_hint = false} : vector<128x256xbf16>, vector<256x640xbf16>, vector<128x640xf32> -> vector<128x640xf32>
    %get3A_9 = arith.constant 0 : index
    %get3A_10 = arith.constant 0 : index
    %get3A_11 = arith.constant 0 : index
    %get3A_12 = vector.load %arg1[%get3A_9, %get3A_10, %get3A_11] : memref<1x128x1664xf32, #tpu.memory_space<vmem>>, vector<1x128x1664xf32>
    %get3A_13 = vector.shape_cast %get3A_12 : vector<1x128x1664xf32> to vector<128x1664xf32>
    %slice3A = vector.extract_strided_slice %get3A_13 {offsets = [0, 1536], sizes = [128, 128], strides = [1, 1]} : vector<128x1664xf32> to vector<128x128xf32>
    %slice3A_14 = vector.extract_strided_slice %slice3A {offsets = [0, 0], sizes = [128, 16], strides = [1, 1]} : vector<128x128xf32> to vector<128x16xf32>
    %slice3A_15 = vector.extract_strided_slice %dot_general3A_8 {offsets = [0, 0], sizes = [128, 16], strides = [1, 1]} : vector<128x640xf32> to vector<128x16xf32>
    %add3A = arith.addf %slice3A_14, %slice3A_15 : vector<128x16xf32>
    %get3A_16 = arith.constant 0 : index
    %get3A_17 = arith.constant 0 : index
    %get3A_18 = vector.load %arg12[%get3A_16, %get3A_17] : memref<1x16xf32, #tpu.memory_space<vmem>>, vector<1x16xf32>
    %add3A_19 = vector.broadcast %get3A_18 : vector<1x16xf32> to vector<128x16xf32>
    %add3A_20 = arith.addf %add3A, %add3A_19 : vector<128x16xf32>
    %get3A_21 = arith.constant 0 : index
    %get3A_22 = arith.constant 0 : index
    %get3A_23 = arith.constant 0 : index
    %get3A_24 = vector.load %arg2[%get3A_21, %get3A_22, %get3A_23] : memref<1x128x16xf32, #tpu.memory_space<vmem>>, vector<1x128x16xf32>
    %get3A_25 = vector.shape_cast %get3A_24 : vector<1x128x16xf32> to vector<128x16xf32>
    %iota3A = tpu.iota {dimensions = array<i32: 1>} : vector<128x16xi32>
    %reduce_max3A = arith.constant dense<0xFF800000> : vector<128xf32>
    %reduce_max3A_26 = vector.multi_reduction <maximumf>, %add3A_20, %reduce_max3A [1] : vector<128x16xf32> to vector<128xf32>
    %broadcast_in_dim3A = vector.shape_cast %reduce_max3A_26 : vector<128xf32> to vector<128x1xf32>
    %sub3A = vector.broadcast %broadcast_in_dim3A : vector<128x1xf32> to vector<128x16xf32>
    %sub3A_27 = arith.subf %add3A_20, %sub3A : vector<128x16xf32>
    %exp3A = math.exp %sub3A_27 : vector<128x16xf32>
    %reduce_sum3A = arith.constant dense<0.000000e+00> : vector<128xf32>
    %reduce_sum3A_28 = vector.multi_reduction <add>, %exp3A, %reduce_sum3A [1] : vector<128x16xf32> to vector<128xf32>
    %broadcast_in_dim3A_29 = vector.shape_cast %reduce_sum3A_28 : vector<128xf32> to vector<128x1xf32>
    %mul3A = arith.constant 9.99999971E-10 : f32
    %mul3A_30 = vector.broadcast %mul3A : f32 to vector<128x1xf32>
    %mul3A_31 = arith.mulf %mul3A_30, %broadcast_in_dim3A_29 : vector<128x1xf32>
    %add3A_32 = vector.broadcast %mul3A_31 : vector<128x1xf32> to vector<128x16xf32>
    %add3A_33 = arith.addf %exp3A, %add3A_32 : vector<128x16xf32>
    %mul3A_34 = arith.mulf %add3A_33, %get3A_25 : vector<128x16xf32>
    %reduce_max3A_35 = arith.constant dense<0xFF800000> : vector<128xf32>
    %reduce_max3A_36 = vector.multi_reduction <maximumf>, %mul3A_34, %reduce_max3A_35 [1] : vector<128x16xf32> to vector<128xf32>
    %broadcast_in_dim3A_37 = vector.shape_cast %reduce_max3A_36 : vector<128xf32> to vector<128x1xf32>
    %eq3A_38 = vector.broadcast %broadcast_in_dim3A_37 : vector<128x1xf32> to vector<128x16xf32>
    %eq3A_39 = arith.cmpf oeq, %mul3A_34, %eq3A_38 : vector<128x16xf32>
    %jit3A = arith.constant 16 : i32
    %broadcast_in_dim3A_40 = vector.broadcast %jit3A : i32 to vector<128x16xi32>
    %select_n3A = arith.select %eq3A_39, %iota3A, %broadcast_in_dim3A_40 : vector<128x16xi1>, vector<128x16xi32>
    %reduce_min3A = arith.constant dense<2147483647> : vector<128xi32>
    %reduce_min3A_41 = vector.multi_reduction <minsi>, %select_n3A, %reduce_min3A [1] : vector<128x16xi32> to vector<128xi32>
    %broadcast_in_dim3A_42 = vector.shape_cast %reduce_min3A_41 : vector<128xi32> to vector<128x1xi32>
    %eq3A_43 = vector.broadcast %broadcast_in_dim3A_42 : vector<128x1xi32> to vector<128x16xi32>
    %eq3A_44 = arith.cmpi eq, %iota3A, %eq3A_43 : vector<128x16xi32>
    %convert_element_type3A_45 = arith.extui %eq3A_44 : vector<128x16xi1> to vector<128x16xi32>
    %convert_element_type3A_46 = arith.sitofp %convert_element_type3A_45 : vector<128x16xi32> to vector<128x16xf32>
    %get3A_47 = arith.constant 0 : index
    %get3A_48 = arith.constant 0 : index
    %get3A_49 = vector.load %arg11[%get3A_47, %get3A_48] : memref<1x16xf32, #tpu.memory_space<vmem>>, vector<1x16xf32>
    %mul3A_50 = vector.broadcast %get3A_49 : vector<1x16xf32> to vector<128x16xf32>
    %mul3A_51 = arith.mulf %convert_element_type3A_46, %mul3A_50 : vector<128x16xf32>
    %reduce_sum3A_52 = arith.constant dense<0.000000e+00> : vector<128xf32>
    %reduce_sum3A_53 = vector.multi_reduction <add>, %mul3A_51, %reduce_sum3A_52 [1] : vector<128x16xf32> to vector<128xf32>
    %broadcast_in_dim3A_54 = vector.shape_cast %reduce_sum3A_53 : vector<128xf32> to vector<128x1xf32>
    %slice3A_55 = vector.extract_strided_slice %slice3A {offsets = [0, 80], sizes = [128, 1], strides = [1, 1]} : vector<128x128xf32> to vector<128x1xf32>
    %slice3A_56 = vector.extract_strided_slice %dot_general3A_8 {offsets = [0, 80], sizes = [128, 1], strides = [1, 1]} : vector<128x640xf32> to vector<128x1xf32>
    %add3A_57 = arith.addf %slice3A_55, %slice3A_56 : vector<128x1xf32>
    %add3A_58 = arith.addf %add3A_57, %broadcast_in_dim3A_54 : vector<128x1xf32>
    %gt3A = arith.constant 0.000000e+00 : f32
    %gt3A_59 = vector.broadcast %gt3A : f32 to vector<128x1xf32>
    %gt3A_60 = arith.cmpf ogt, %add3A_58, %gt3A_59 : vector<128x1xf32>
    %convert_element_type3A_61 = arith.extui %gt3A_60 : vector<128x1xi1> to vector<128x1xi32>
    %convert_element_type3A_62 = arith.sitofp %convert_element_type3A_61 : vector<128x1xi32> to vector<128x1xf32>
    %slice3A_63 = vector.extract_strided_slice %slice3A {offsets = [0, 16], sizes = [128, 16], strides = [1, 1]} : vector<128x128xf32> to vector<128x16xf32>
    %slice3A_64 = vector.extract_strided_slice %slice3A {offsets = [0, 32], sizes = [128, 16], strides = [1, 1]} : vector<128x128xf32> to vector<128x16xf32>
    %add3A_65 = arith.addf %slice3A_63, %slice3A_64 : vector<128x16xf32>
    %slice3A_66 = vector.extract_strided_slice %dot_general3A_8 {offsets = [0, 16], sizes = [128, 16], strides = [1, 1]} : vector<128x640xf32> to vector<128x16xf32>
    %add3A_67 = arith.addf %add3A_65, %slice3A_66 : vector<128x16xf32>
    %slice3A_68 = vector.extract_strided_slice %dot_general3A_8 {offsets = [0, 32], sizes = [128, 16], strides = [1, 1]} : vector<128x640xf32> to vector<128x16xf32>
    %add3A_69 = arith.addf %add3A_67, %slice3A_68 : vector<128x16xf32>
    %slice3A_70 = vector.extract_strided_slice %slice3A {offsets = [0, 48], sizes = [128, 16], strides = [1, 1]} : vector<128x128xf32> to vector<128x16xf32>
    %slice3A_71 = vector.extract_strided_slice %slice3A {offsets = [0, 64], sizes = [128, 16], strides = [1, 1]} : vector<128x128xf32> to vector<128x16xf32>
    %add3A_72 = arith.addf %slice3A_70, %slice3A_71 : vector<128x16xf32>
    %slice3A_73 = vector.extract_strided_slice %dot_general3A_8 {offsets = [0, 48], sizes = [128, 16], strides = [1, 1]} : vector<128x640xf32> to vector<128x16xf32>
    %add3A_74 = arith.addf %add3A_72, %slice3A_73 : vector<128x16xf32>
    %slice3A_75 = vector.extract_strided_slice %dot_general3A_8 {offsets = [0, 64], sizes = [128, 16], strides = [1, 1]} : vector<128x640xf32> to vector<128x16xf32>
    %add3A_76 = arith.addf %add3A_74, %slice3A_75 : vector<128x16xf32>
    %gt3A_77 = arith.constant 0.000000e+00 : f32
    %gt3A_78 = vector.broadcast %gt3A_77 : f32 to vector<128x1xf32>
    %gt3A_79 = arith.cmpf ogt, %convert_element_type3A_62, %gt3A_78 : vector<128x1xf32>
    %broadcast_in_dim3A_80 = vector.shape_cast %gt3A_79 : vector<128x1xi1> to vector<128x1xi1>
    %broadcast_in_dim3A_81 = vector.broadcast %broadcast_in_dim3A_80 : vector<128x1xi1> to vector<128x16xi1>
    %select_n3A_82 = arith.select %broadcast_in_dim3A_81, %add3A_69, %add3A_76 : vector<128x16xi1>, vector<128x16xf32>
    %get3A_83 = arith.constant 0 : index
    %get3A_84 = arith.constant 0 : index
    %get3A_85 = vector.load %arg13[%get3A_83, %get3A_84] : memref<1x16xf32, #tpu.memory_space<vmem>>, vector<1x16xf32>
    %add3A_86 = vector.broadcast %get3A_85 : vector<1x16xf32> to vector<128x16xf32>
    %add3A_87 = arith.addf %select_n3A_82, %add3A_86 : vector<128x16xf32>
    %get3A_88 = arith.constant 0 : index
    %get3A_89 = arith.constant 0 : index
    %get3A_90 = arith.constant 0 : index
    %get3A_91 = vector.load %arg3[%get3A_88, %get3A_89, %get3A_90] : memref<1x128x16xf32, #tpu.memory_space<vmem>>, vector<1x128x16xf32>
    %get3A_92 = vector.shape_cast %get3A_91 : vector<1x128x16xf32> to vector<128x16xf32>
    %iota3A_93 = tpu.iota {dimensions = array<i32: 1>} : vector<128x16xi32>
    %reduce_max3A_94 = arith.constant dense<0xFF800000> : vector<128xf32>
    %reduce_max3A_95 = vector.multi_reduction <maximumf>, %add3A_87, %reduce_max3A_94 [1] : vector<128x16xf32> to vector<128xf32>
    %broadcast_in_dim3A_96 = vector.shape_cast %reduce_max3A_95 : vector<128xf32> to vector<128x1xf32>
    %sub3A_97 = vector.broadcast %broadcast_in_dim3A_96 : vector<128x1xf32> to vector<128x16xf32>
    %sub3A_98 = arith.subf %add3A_87, %sub3A_97 : vector<128x16xf32>
    %exp3A_99 = math.exp %sub3A_98 : vector<128x16xf32>
    %reduce_sum3A_100 = arith.constant dense<0.000000e+00> : vector<128xf32>
    %reduce_sum3A_101 = vector.multi_reduction <add>, %exp3A_99, %reduce_sum3A_100 [1] : vector<128x16xf32> to vector<128xf32>
    %broadcast_in_dim3A_102 = vector.shape_cast %reduce_sum3A_101 : vector<128xf32> to vector<128x1xf32>
    %mul3A_103 = arith.constant 9.99999971E-10 : f32
    %mul3A_104 = vector.broadcast %mul3A_103 : f32 to vector<128x1xf32>
    %mul3A_105 = arith.mulf %mul3A_104, %broadcast_in_dim3A_102 : vector<128x1xf32>
    %add3A_106 = vector.broadcast %mul3A_105 : vector<128x1xf32> to vector<128x16xf32>
    %add3A_107 = arith.addf %exp3A_99, %add3A_106 : vector<128x16xf32>
    %mul3A_108 = arith.mulf %add3A_107, %get3A_92 : vector<128x16xf32>
    %reduce_max3A_109 = arith.constant dense<0xFF800000> : vector<128xf32>
    %reduce_max3A_110 = vector.multi_reduction <maximumf>, %mul3A_108, %reduce_max3A_109 [1] : vector<128x16xf32> to vector<128xf32>
    %broadcast_in_dim3A_111 = vector.shape_cast %reduce_max3A_110 : vector<128xf32> to vector<128x1xf32>
    %eq3A_112 = vector.broadcast %broadcast_in_dim3A_111 : vector<128x1xf32> to vector<128x16xf32>
    %eq3A_113 = arith.cmpf oeq, %mul3A_108, %eq3A_112 : vector<128x16xf32>
    %jit3A_114 = arith.constant 16 : i32
    %broadcast_in_dim3A_115 = vector.broadcast %jit3A_114 : i32 to vector<128x16xi32>
    %select_n3A_116 = arith.select %eq3A_113, %iota3A_93, %broadcast_in_dim3A_115 : vector<128x16xi1>, vector<128x16xi32>
    %reduce_min3A_117 = arith.constant dense<2147483647> : vector<128xi32>
    %reduce_min3A_118 = vector.multi_reduction <minsi>, %select_n3A_116, %reduce_min3A_117 [1] : vector<128x16xi32> to vector<128xi32>
    %broadcast_in_dim3A_119 = vector.shape_cast %reduce_min3A_118 : vector<128xi32> to vector<128x1xi32>
    %eq3A_120 = vector.broadcast %broadcast_in_dim3A_119 : vector<128x1xi32> to vector<128x16xi32>
    %eq3A_121 = arith.cmpi eq, %iota3A_93, %eq3A_120 : vector<128x16xi32>
    %convert_element_type3A_122 = arith.extui %eq3A_121 : vector<128x16xi1> to vector<128x16xi32>
    %convert_element_type3A_123 = arith.sitofp %convert_element_type3A_122 : vector<128x16xi32> to vector<128x16xf32>
    %sub3A_124 = arith.constant 1.000000e+00 : f32
    %sub3A_125 = vector.broadcast %sub3A_124 : f32 to vector<128x1xf32>
    %sub3A_126 = arith.subf %sub3A_125, %convert_element_type3A_62 : vector<128x1xf32>
    %mul3A_127 = vector.broadcast %sub3A_126 : vector<128x1xf32> to vector<128x16xf32>
    %mul3A_128 = arith.mulf %convert_element_type3A_123, %mul3A_127 : vector<128x16xf32>
    %mul3A_129 = vector.broadcast %convert_element_type3A_62 : vector<128x1xf32> to vector<128x16xf32>
    %mul3A_130 = arith.mulf %convert_element_type3A_123, %mul3A_129 : vector<128x16xf32>
    %concatenate3A = tpu.concatenate %mul3A_128, %mul3A_130 in 1 : vector<128x16xf32>, vector<128x16xf32> -> vector<128x32xf32>
    %convert_element_type3A_131 = arith.truncf %concatenate3A : vector<128x32xf32> to vector<128x32xbf16>
    %get3A_132 = arith.constant 0 : index
    %get3A_133 = arith.constant 0 : index
    %get3A_134 = vector.load %arg8[%get3A_132, %get3A_133] : memref<32x768xbf16, #tpu.memory_space<vmem>>, vector<32x768xbf16>
    %dot_general3A_135 = arith.constant dense<0.000000e+00> : vector<128x768xf32>
    %dot_general3A_136 = tpu.matmul %convert_element_type3A_131, %get3A_134, %dot_general3A_135 {dimension_numbers = #tpu.dot_dimension_numbers<[1], [0], [0], [1], [0, 0, 1, 1], [], []>, transpose_lhs_hint = false} : vector<128x32xbf16>, vector<32x768xbf16>, vector<128x768xf32> -> vector<128x768xf32>
    %get3A_137 = arith.constant 0 : index
    %get3A_138 = arith.constant 0 : index
    %get3A_139 = vector.load %arg9[%get3A_137, %get3A_138] : memref<32x768xbf16, #tpu.memory_space<vmem>>, vector<32x768xbf16>
    %dot_general3A_140 = arith.constant dense<0.000000e+00> : vector<128x768xf32>
    %dot_general3A_141 = tpu.matmul %convert_element_type3A_131, %get3A_139, %dot_general3A_140 {dimension_numbers = #tpu.dot_dimension_numbers<[1], [0], [0], [1], [0, 0, 1, 1], [], []>, transpose_lhs_hint = false} : vector<128x32xbf16>, vector<32x768xbf16>, vector<128x768xf32> -> vector<128x768xf32>
    %add3A_142 = arith.addf %dot_general3A_136, %dot_general3A_141 : vector<128x768xf32>
    %get3A_143 = arith.constant 0 : index
    %get3A_144 = arith.constant 0 : index
    %get3A_145 = vector.load %arg10[%get3A_143, %get3A_144] : memref<32x768xbf16, #tpu.memory_space<vmem>>, vector<32x768xbf16>
    %dot_general3A_146 = arith.constant dense<0.000000e+00> : vector<128x768xf32>
    %dot_general3A_147 = tpu.matmul %convert_element_type3A_131, %get3A_145, %dot_general3A_146 {dimension_numbers = #tpu.dot_dimension_numbers<[1], [0], [0], [1], [0, 0, 1, 1], [], []>, transpose_lhs_hint = false} : vector<128x32xbf16>, vector<32x768xbf16>, vector<128x768xf32> -> vector<128x768xf32>
    %add3A_148 = arith.addf %add3A_142, %dot_general3A_147 : vector<128x768xf32>
    %gt3A_149 = arith.constant 0.000000e+00 : f32
    %gt3A_150 = vector.broadcast %gt3A_149 : f32 to vector<128x1xf32>
    %gt3A_151 = arith.cmpf ogt, %convert_element_type3A_62, %gt3A_150 : vector<128x1xf32>
    %slice3A_152 = vector.extract_strided_slice %get3A_13 {offsets = [0, 0], sizes = [128, 768], strides = [1, 1]} : vector<128x1664xf32> to vector<128x768xf32>
    %slice3A_153 = vector.extract_strided_slice %get3A_13 {offsets = [0, 768], sizes = [128, 768], strides = [1, 1]} : vector<128x1664xf32> to vector<128x768xf32>
    %broadcast_in_dim3A_154 = vector.shape_cast %gt3A_151 : vector<128x1xi1> to vector<128x1xi1>
    %broadcast_in_dim3A_155 = vector.broadcast %broadcast_in_dim3A_154 : vector<128x1xi1> to vector<128x768xi1>
    %select_n3A_156 = arith.select %broadcast_in_dim3A_155, %slice3A_152, %slice3A_153 : vector<128x768xi1>, vector<128x768xf32>
    %add3A_157 = arith.addf %select_n3A_156, %add3A_148 : vector<128x768xf32>
    %slice3A_158 = vector.extract_strided_slice %add3A_157 {offsets = [0, 0], sizes = [128, 256], strides = [1, 1]} : vector<128x768xf32> to vector<128x256xf32>
    %slice3A_159 = vector.extract_strided_slice %dot_general3A_8 {offsets = [0, 128], sizes = [128, 256], strides = [1, 1]} : vector<128x640xf32> to vector<128x256xf32>
    %add3A_160 = arith.addf %slice3A_158, %slice3A_159 : vector<128x256xf32>
    %get3A_161 = arith.constant 0 : index
    %get3A_162 = arith.constant 0 : index
    %get3A_163 = vector.load %arg14[%get3A_161, %get3A_162] : memref<1x256xf32, #tpu.memory_space<vmem>>, vector<1x256xf32>
    %add3A_164 = vector.broadcast %get3A_163 : vector<1x256xf32> to vector<128x256xf32>
    %add3A_165 = arith.addf %add3A_160, %add3A_164 : vector<128x256xf32>
    %logistic3A = arith.negf %add3A_165 : vector<128x256xf32>
    %logistic3A_166 = math.exp %logistic3A : vector<128x256xf32>
    %logistic3A_167 = arith.constant 1.000000e+00 : f32
    %logistic3A_168 = vector.broadcast %logistic3A_167 : f32 to vector<128x256xf32>
    %logistic3A_169 = arith.addf %logistic3A_168, %logistic3A_166 : vector<128x256xf32>
    %logistic3A_170 = arith.divf %logistic3A_168, %logistic3A_169 : vector<128x256xf32>
    %slice3A_171 = vector.extract_strided_slice %add3A_157 {offsets = [0, 256], sizes = [128, 256], strides = [1, 1]} : vector<128x768xf32> to vector<128x256xf32>
    %slice3A_172 = vector.extract_strided_slice %dot_general3A_8 {offsets = [0, 384], sizes = [128, 256], strides = [1, 1]} : vector<128x640xf32> to vector<128x256xf32>
    %add3A_173 = arith.addf %slice3A_171, %slice3A_172 : vector<128x256xf32>
    %get3A_174 = arith.constant 0 : index
    %get3A_175 = arith.constant 0 : index
    %get3A_176 = vector.load %arg15[%get3A_174, %get3A_175] : memref<1x256xf32, #tpu.memory_space<vmem>>, vector<1x256xf32>
    %add3A_177 = vector.broadcast %get3A_176 : vector<1x256xf32> to vector<128x256xf32>
    %add3A_178 = arith.addf %add3A_173, %add3A_177 : vector<128x256xf32>
    %logistic3A_179 = arith.negf %add3A_178 : vector<128x256xf32>
    %logistic3A_180 = math.exp %logistic3A_179 : vector<128x256xf32>
    %logistic3A_181 = arith.constant 1.000000e+00 : f32
    %logistic3A_182 = vector.broadcast %logistic3A_181 : f32 to vector<128x256xf32>
    %logistic3A_183 = arith.addf %logistic3A_182, %logistic3A_180 : vector<128x256xf32>
    %logistic3A_184 = arith.divf %logistic3A_182, %logistic3A_183 : vector<128x256xf32>
    %slice3A_185 = vector.extract_strided_slice %add3A_157 {offsets = [0, 512], sizes = [128, 256], strides = [1, 1]} : vector<128x768xf32> to vector<128x256xf32>
    %mul3A_186 = arith.mulf %logistic3A_184, %get3A_3 : vector<128x256xf32>
    %get3A_187 = arith.constant 0 : index
    %get3A_188 = arith.constant 0 : index
    %get3A_189 = vector.load %arg7[%get3A_187, %get3A_188] : memref<256x256xbf16, #tpu.memory_space<vmem>>, vector<256x256xbf16>
    %convert_element_type3A_190 = arith.truncf %mul3A_186 : vector<128x256xf32> to vector<128x256xbf16>
    %dot_general3A_191 = arith.constant dense<0.000000e+00> : vector<128x256xf32>
    %dot_general3A_192 = tpu.matmul %convert_element_type3A_190, %get3A_189, %dot_general3A_191 {dimension_numbers = #tpu.dot_dimension_numbers<[1], [0], [0], [1], [0, 0, 1, 1], [], []>, transpose_lhs_hint = false} : vector<128x256xbf16>, vector<256x256xbf16>, vector<128x256xf32> -> vector<128x256xf32>
    %add3A_193 = arith.addf %slice3A_185, %dot_general3A_192 : vector<128x256xf32>
    %get3A_194 = arith.constant 0 : index
    %get3A_195 = arith.constant 0 : index
    %get3A_196 = vector.load %arg16[%get3A_194, %get3A_195] : memref<1x256xf32, #tpu.memory_space<vmem>>, vector<1x256xf32>
    %add3A_197 = vector.broadcast %get3A_196 : vector<1x256xf32> to vector<128x256xf32>
    %add3A_198 = arith.addf %add3A_193, %add3A_197 : vector<128x256xf32>
    %tanh3A = math.tanh %add3A_198 : vector<128x256xf32>
    %sub3A_199 = arith.constant 1.000000e+00 : f32
    %sub3A_200 = vector.broadcast %sub3A_199 : f32 to vector<128x256xf32>
    %sub3A_201 = arith.subf %sub3A_200, %logistic3A_170 : vector<128x256xf32>
    %mul3A_202 = arith.mulf %sub3A_201, %get3A_3 : vector<128x256xf32>
    %mul3A_203 = arith.mulf %logistic3A_170, %tanh3A : vector<128x256xf32>
    %add3A_204 = arith.addf %mul3A_202, %mul3A_203 : vector<128x256xf32>
    %swap3A = arith.constant 0 : index
    %swap3A_205 = arith.constant 0 : index
    %swap3A_206 = vector.load %arg19[%swap3A, %swap3A_205] : memref<128x256xf32, #tpu.memory_space<vmem>>, vector<128x256xf32>
    tpu.vector_store %arg19[%swap3A, %swap3A_205], %add3A_204 {strides = array<i32>} : memref<128x256xf32, #tpu.memory_space<vmem>>, vector<128x256xf32>,
    %get3A_207 = arith.constant 0 : index
    %get3A_208 = arith.constant 0 : index
    %get3A_209 = arith.constant 0 : index
    %get3A_210 = vector.load %arg4[%get3A_207, %get3A_208, %get3A_209] : memref<1x128x1xf32, #tpu.memory_space<vmem>>, vector<1x128x1xf32>
    %get3A_211 = vector.shape_cast %get3A_210 : vector<1x128x1xf32> to vector<128x1xf32>
    %gt3A_212 = arith.constant 5.000000e-01 : f32
    %gt3A_213 = vector.broadcast %gt3A_212 : f32 to vector<128x1xf32>
    %gt3A_214 = arith.cmpf ogt, %get3A_211, %gt3A_213 : vector<128x1xf32>
    %convert_element_type3A_215 = arith.extui %gt3A_214 : vector<128x1xi1> to vector<128x1xi32>
    %convert_element_type3A_216 = arith.sitofp %convert_element_type3A_215 : vector<128x1xi32> to vector<128x1xf32>
    %swap3A_217 = arith.constant 0 : index
    %swap3A_218 = arith.constant 0 : index
    %swap3A_219 = arith.constant 0 : index
    %swap3A_220 = vector.load %arg17[%swap3A_217, %swap3A_218, %swap3A_219] : memref<1x128x1xf32, #tpu.memory_space<vmem>>, vector<1x128x1xf32>
    %swap3A_221 = vector.shape_cast %swap3A_220 : vector<1x128x1xf32> to vector<128x1xf32>
    %swap3A_222 = vector.shape_cast %add3A_58 : vector<128x1xf32> to vector<1x128x1xf32>
    tpu.vector_store %arg17[%swap3A_217, %swap3A_218, %swap3A_219], %swap3A_222 {strides = array<i32>} : memref<1x128x1xf32, #tpu.memory_space<vmem>>, vector<1x128x1xf32>,
    %eq3A_223 = arith.cmpf oeq, %convert_element_type3A_62, %convert_element_type3A_216 : vector<128x1xf32>
    %convert_element_type3A_224 = arith.extui %eq3A_223 : vector<128x1xi1> to vector<128x1xi32>
    %convert_element_type3A_225 = arith.sitofp %convert_element_type3A_224 : vector<128x1xi32> to vector<128x1xf32>
    %get3A_226 = arith.constant 0 : index
    %get3A_227 = arith.constant 0 : index
    %get3A_228 = vector.load %arg5[%get3A_226, %get3A_227] : memref<128x1xf32, #tpu.memory_space<vmem>>, vector<128x1xf32>
    %mul3A_229 = arith.mulf %convert_element_type3A_225, %get3A_228 : vector<128x1xf32>
    %swap3A_230 = arith.constant 0 : index
    %swap3A_231 = arith.constant 0 : index
    %swap3A_232 = arith.constant 0 : index
    %swap3A_233 = vector.load %arg18[%swap3A_230, %swap3A_231, %swap3A_232] : memref<1x128x1xf32, #tpu.memory_space<vmem>>, vector<1x128x1xf32>
    %swap3A_234 = vector.shape_cast %swap3A_233 : vector<1x128x1xf32> to vector<128x1xf32>
    %swap3A_235 = vector.shape_cast %mul3A_229 : vector<128x1xf32> to vector<1x128x1xf32>
    tpu.vector_store %arg18[%swap3A_230, %swap3A_231, %swap3A_232], %swap3A_235 {strides = array<i32>} : memref<1x128x1xf32, #tpu.memory_space<vmem>>, vector<1x128x1xf32>,
    return
  }
  func.func @transform_0(%arg0: i32) -> (i32, i32, i32) {
    %c0_i32 = arith.constant 0 : i32
    %c0_i32_0 = arith.constant 0 : i32
    %c0_i32_1 = arith.constant 0 : i32
    return %arg0, %c0_i32, %c0_i32_0 : i32, i32, i32
  }
  func.func @transform_1(%arg0: i32) -> (i32, i32, i32) {
    %c0_i32 = arith.constant 0 : i32
    %c0_i32_0 = arith.constant 0 : i32
    %c0_i32_1 = arith.constant 0 : i32
    return %arg0, %c0_i32, %c0_i32_0 : i32, i32, i32
  }
  func.func @transform_2(%arg0: i32) -> (i32, i32, i32) {
    %c0_i32 = arith.constant 0 : i32
    %c0_i32_0 = arith.constant 0 : i32
    %c0_i32_1 = arith.constant 0 : i32
    return %arg0, %c0_i32, %c0_i32_0 : i32, i32, i32
  }
  func.func @transform_3(%arg0: i32) -> (i32, i32, i32) {
    %c0_i32 = arith.constant 0 : i32
    %c0_i32_0 = arith.constant 0 : i32
    %c0_i32_1 = arith.constant 0 : i32
    return %arg0, %c0_i32, %c0_i32_0 : i32, i32, i32
  }
  func.func @transform_4(%arg0: i32) -> (i32, i32) {
    %c0_i32 = arith.constant 0 : i32
    %c0_i32_0 = arith.constant 0 : i32
    %c0_i32_1 = arith.constant 0 : i32
    return %c0_i32, %c0_i32_0 : i32, i32
  }
  func.func @transform_5(%arg0: i32) -> (i32, i32) {
    %c0_i32 = arith.constant 0 : i32
    %c0_i32_0 = arith.constant 0 : i32
    %c0_i32_1 = arith.constant 0 : i32
    return %c0_i32, %c0_i32_0 : i32, i32
  }
  func.func @transform_6(%arg0: i32) -> (i32, i32) {
    %c0_i32 = arith.constant 0 : i32
    %c0_i32_0 = arith.constant 0 : i32
    %c0_i32_1 = arith.constant 0 : i32
    return %c0_i32, %c0_i32_0 : i32, i32
  }
  func.func @transform_7(%arg0: i32) -> (i32, i32) {
    %c0_i32 = arith.constant 0 : i32
    %c0_i32_0 = arith.constant 0 : i32
    %c0_i32_1 = arith.constant 0 : i32
    return %c0_i32, %c0_i32_0 : i32, i32
  }
  func.func @transform_8(%arg0: i32) -> (i32, i32) {
    %c0_i32 = arith.constant 0 : i32
    %c0_i32_0 = arith.constant 0 : i32
    %c0_i32_1 = arith.constant 0 : i32
    return %c0_i32, %c0_i32_0 : i32, i32
  }
  func.func @transform_9(%arg0: i32) -> (i32, i32) {
    %c0_i32 = arith.constant 0 : i32
    %c0_i32_0 = arith.constant 0 : i32
    %c0_i32_1 = arith.constant 0 : i32
    return %c0_i32, %c0_i32_0 : i32, i32
  }
  func.func @transform_10(%arg0: i32) -> (i32, i32) {
    %c0_i32 = arith.constant 0 : i32
    %c0_i32_0 = arith.constant 0 : i32
    %c0_i32_1 = arith.constant 0 : i32
    return %c0_i32, %c0_i32_0 : i32, i32
  }
  func.func @transform_11(%arg0: i32) -> (i32, i32) {
    %c0_i32 = arith.constant 0 : i32
    %c0_i32_0 = arith.constant 0 : i32
    %c0_i32_1 = arith.constant 0 : i32
    return %c0_i32, %c0_i32_0 : i32, i32
  }
  func.func @transform_12(%arg0: i32) -> (i32, i32) {
    %c0_i32 = arith.constant 0 : i32
    %c0_i32_0 = arith.constant 0 : i32
    %c0_i32_1 = arith.constant 0 : i32
    return %c0_i32, %c0_i32_0 : i32, i32
  }
  func.func @transform_13(%arg0: i32) -> (i32, i32) {
    %c0_i32 = arith.constant 0 : i32
    %c0_i32_0 = arith.constant 0 : i32
    %c0_i32_1 = arith.constant 0 : i32
    return %c0_i32, %c0_i32_0 : i32, i32
  }
  func.func @transform_14(%arg0: i32) -> (i32, i32) {
    %c0_i32 = arith.constant 0 : i32
    %c0_i32_0 = arith.constant 0 : i32
    %c0_i32_1 = arith.constant 0 : i32
    return %c0_i32, %c0_i32_0 : i32, i32
  }
  func.func @transform_15(%arg0: i32) -> (i32, i32) {
    %c0_i32 = arith.constant 0 : i32
    %c0_i32_0 = arith.constant 0 : i32
    %c0_i32_1 = arith.constant 0 : i32
    return %c0_i32, %c0_i32_0 : i32, i32
  }
  func.func @transform_16(%arg0: i32) -> (i32, i32, i32) {
    %c0_i32 = arith.constant 0 : i32
    %c0_i32_0 = arith.constant 0 : i32
    %c0_i32_1 = arith.constant 0 : i32
    return %arg0, %c0_i32, %c0_i32_0 : i32, i32, i32
  }
  func.func @transform_17(%arg0: i32) -> (i32, i32, i32) {
    %c0_i32 = arith.constant 0 : i32
    %c0_i32_0 = arith.constant 0 : i32
    %c0_i32_1 = arith.constant 0 : i32
    return %arg0, %c0_i32, %c0_i32_0 : i32, i32, i32
  }
}

</mosaic_0001>

<sc_bundles>
// kernel: kernel.5.cloned.1.call-start
scs
__scs_entry_jumppad:
0x0: {  	(pc) =	sbr.rel $0x88, $3  }
0x1: {  	(tag) =	ssettag $0x0;
	lr =	simm.s32 $0x1  }
0x2: {  	[smem:$0x3F8A] =	sst lr;
	_ =	strace $0xD0000000  }
0x3: {  	_ = 	snop  }
0x4: {  	_ = 	snop  }
0x5: {  	_ = 	snop  }
0x6: {  	_ = 	snop  }
0x7: {  	_ = 	snop  }
__scs_overlays_trampoline_lowered:
0x8: {  	[smem:$0x3F99] =	sst s0  }
0x9: {  	[smem:$0x3F9A] =	sst s1  }
0xa: {  	[smem:$0x3F9B] =	sst s2  }
0xb: {  	[smem:$0x3F9C] =	sst s3  }
0xc: {  	[smem:$0x3F9D] =	sst s4  }
0xd: {  	[smem:$0x3F9E] =	sst s5  }
0xe: {  	[smem:$0x3F9F] =	sst s6  }
0xf: {  	[smem:$0x3FA0] =	sst s7  }
0x10: {  	[smem:$0x3FA1] =	sst s8  }
0x11: {  	[smem:$0x3FA2] =	sst s9;
	s0 =	simm.s32 @!p0 $0x0  }
0x12: {  	s1 =	sld [smem:$0x3F88];
	s0 =	simm.s32 @p0 $0x1  }
0x13: {  	[smem:$0x3FA3] =	sst s0;
	s0 =	simm.s32 @!p1 $0x0  }
0x14: {  	s2 =	sld [smem:$0x3F87];
	s0 =	simm.s32 @p1 $0x1  }
0x15: {  	[smem:$0x3FA4] =	sst s0;
	s0 =	simm.s32 @!p2 $0x0  }
0x16: {  	s3 =	sld [smem:$0x3FDB];
	s0 =	simm.s32 @p2 $0x1  }
0x17: {  	s4 =	simm.s32 $0x1BF5;
	[smem:$0x3FA6] =	sst s0  }
0x18: {  	s0 =	sld [smem:$0x3F89];
	_ =	swait.ge [sflag:s4], $0x0  }
0x19: {  	s7 =	sld [smem:$0x3F8A]  }
0x1a: {  	s8 =	sadd.s32 $0xFFFFE003, lr  }
0x1b: {  	s9 =	sadd.s32 $0xFFFFFEF7, lr;
	s5 =	simm.s32 $0xFFFFFFFF;
	p2 =	slt.u32 s8, $0xFFFFF086  }
0x1c: {  	p1 =	slt.u32 s9, $0xF7A;
	s5 =	simm.s32 @!p2 $0x0  }
0x1d: {  	s5 =	simm.s32 @p1 $0x1;
	p0 =	seq.s32 s7, s2  }
0x1e: {  	s7 =	smul.u32 @!p0 $0xF7A, s2;
	p2 =	seq.s32 @!p0 s5, $0x0  }
0x1f: {  	s9 =	smul.u32 $0xF7A, s1;
	s8 =	simm.s32 @!p0 $0x1BF5;
	p2 =	por !p2, p0  }
0x20: {  	[sflag:s8] =	ssyncset.s32 @!p0 $0xFFFFF086;
	s6 =	sadd.s32 @!p0 s3, s7;
	s7 =	simm.s32 @!p0 $0x108  }
0x21: {  	s3 =	sadd.s32 s3, s9;
	s6 =	sadd.s32 @!p0 $0x88, s6;
	s7 =	simm.s32 @p2 $0x1082  }
0x22: {  	[simem:s7], [sflag:s8] =	dma.local @!p0 [hbm:s6], $0xF7A  }
0x23: {  	s9 =	sor.u32 $0xD0000000, s2;
	s6 =	simm.s32 $0x108;
	_ =	swait.ge @!p0 [sflag:s8], $0x0  }
0x24: {  	s3 =	sadd.s32 $0x88, s3;
	s6 =	simm.s32 @!p1 $0x1082;
	[sflag:s4] =	ssyncset.s32 $0xFFFFF086  }
0x25: {  	[simem:s6], [sflag:s4] =	dma.local [hbm:s3], $0xF7A  }
0x26: {  	[smem:$0x3F8A] =	sst s1;
	(tag) =	ssettag s2;
	_ =	strace s9  }
0x27: {  	s1 =	sld [smem:$0x3F9A]  }
0x28: {  	s2 =	sld [smem:$0x3F9B]  }
0x29: {  	s4 =	sld [smem:$0x3F9D]  }
0x2a: {  	p0 =	seq.s32 s5, $0x0;
	s5 =	sld [smem:$0x3F9E]  }
0x2b: {  	s6 =	sld [smem:$0x3F9F]  }
0x2c: {  	s7 =	sld [smem:$0x3FA0]  }
0x2d: {  	s3 =	simm.s32 $0x108;
	s8 =	sld [smem:$0x3FA1]  }
0x2e: {  	s3 =	simm.s32 @!p0 $0x1082;
	s9 =	sld [smem:$0x3FA2]  }
0x2f: {  	lr =	sadd.s32 s0, s3;
	s0 =	sld [smem:$0x3F99]  }
0x30: {  	s3 =	sld [smem:$0x3F9C]  }
0x31: {  	[smem:$0x3FA5] =	sst s10  }
0x32: {  	s10 =	sld [smem:$0x3FA3];
	_ =	sdelay $0x3  }
0x33: {  	p0 =	seq.s32 s10, $0x1;
	s10 =	sld [smem:$0x3FA5];
	_ =	sdelay $0x3  }
0x34: {  	[smem:$0x3FA5] =	sst s10  }
0x35: {  	s10 =	sld [smem:$0x3FA4];
	_ =	sdelay $0x3  }
0x36: {  	p1 =	seq.s32 s10, $0x1;
	s10 =	sld [smem:$0x3FA5];
	_ =	sdelay $0x3  }
0x37: {  	[smem:$0x3FA5] =	sst s10  }
0x38: {  	s10 =	sld [smem:$0x3FA6]  }
0x39: {  	_ = 	snop;
	(pc) =	sbr.ind lr, $3  }
0x3a: {  	_ = 	snop  }
0x3b: {  	_ = 	snop  }
0x3c: {  	p2 =	seq.s32 s10, $0x1;
	s10 =	sld [smem:$0x3FA5]  }
0x3d: {  	_ =	shalt  }
0x3e: {  	_ =	shalt  }
0x3f: {  	_ =	shalt  }
0x40: {  	_ =	shalt  }
0x41: {  	_ =	shalt  }
0x42: {  	_ =	shalt  }
0x43: {  	_ =	shalt  }
0x44: {  	_ =	shalt  }
0x45: {  	_ =	shalt  }
0x46: {  	_ =	shalt  }
0x47: {  	_ =	shalt  }
0x48: {  	_ =	shalt  }
0x49: {  	_ =	shalt  }
0x4a: {  	_ =	shalt  }
0x4b: {  	_ =	shalt  }
0x4c: {  	_ =	shalt  }
0x4d: {  	_ =	shalt  }
0x4e: {  	_ =	shalt  }
0x4f: {  	_ =	shalt  }
0x50: {  	_ =	shalt  }
0x51: {  	_ =	shalt  }
0x52: {  	_ =	shalt  }
0x53: {  	_ =	shalt  }
0x54: {  	_ =	shalt  }
0x55: {  	_ =	shalt  }
0x56: {  	_ =	shalt  }
0x57: {  	_ =	shalt  }
0x58: {  	_ =	shalt  }
0x59: {  	_ =	shalt  }
0x5a: {  	_ =	shalt  }
0x5b: {  	_ =	shalt  }
0x5c: {  	_ =	shalt  }
0x5d: {  	_ =	shalt  }
0x5e: {  	_ =	shalt  }
0x5f: {  	_ =	shalt  }
0x60: {  	_ =	shalt  }
0x61: {  	_ =	shalt  }
0x62: {  	_ =	shalt  }
0x63: {  	_ =	shalt  }
0x64: {  	_ =	shalt  }
0x65: {  	_ =	shalt  }
0x66: {  	_ =	shalt  }
0x67: {  	_ =	shalt  }
0x68: {  	_ =	shalt  }
0x69: {  	_ =	shalt  }
0x6a: {  	_ =	shalt  }
0x6b: {  	_ =	shalt  }
0x6c: {  	_ =	shalt  }
0x6d: {  	_ =	shalt  }
0x6e: {  	_ =	shalt  }
0x6f: {  	_ =	shalt  }
0x70: {  	_ =	shalt  }
0x71: {  	_ =	shalt  }
0x72: {  	_ =	shalt  }
0x73: {  	_ =	shalt  }
0x74: {  	_ =	shalt  }
0x75: {  	_ =	shalt  }
0x76: {  	_ =	shalt  }
0x77: {  	_ =	shalt  }
0x78: {  	_ =	shalt  }
0x79: {  	_ =	shalt  }
0x7a: {  	_ =	shalt  }
0x7b: {  	_ =	shalt  }
0x7c: {  	_ =	shalt  }
0x7d: {  	_ =	shalt  }
0x7e: {  	_ =	shalt  }
0x7f: {  	_ =	shalt  }
0x80: {  	_ =	shalt  }
0x81: {  	_ =	shalt  }
0x82: {  	_ =	shalt  }
0x83: {  	_ =	shalt  }
0x84: {  	_ =	shalt  }
0x85: {  	_ =	shalt  }
0x86: {  	_ =	shalt  }
0x87: {  	_ =	shalt  }
.Lfunc_end0:
.L_simem_size_0:
called_computation_lowered:
.L_overlay_start_0:
0x88: {  	s2 =	sld [smem:$0x3FD9]  }
0x89: {  	s3 =	sld [smem:$0x3FFE];
	_ =	sdelay $0x1  }
0x8a: {  	s1 =	srdreg.scid  }
0x8b: {  	s0 =	sand.u32 $0x1, s1  }
0x8c: {  	s17 =	sshll.u32 s0, $0xA;
	s2 =	sadd.s32 s3, s2  }
0x8d: {  	s2 =	sadd.s32 s2, s17  }
0x8e: {  	[smem:$0x3FB1] =	sst s2  }
0x8f: {  	_ = 	snop  }
0x90: {  	s2 =	sld [smem:$0x3FC9];
	(tm) =	ssettm $0x1  }
0x91: {  	s18 =	sld [smem:$0x3FFB];
	_ =	sdelay $0x3  }
0x92: {  	_ =	strace s18  }
0x93: {  	s3 =	sld [smem:$0x3FFC];
	_ =	sdelay $0x3  }
0x94: {  	_ =	strace s3  }
0x95: {  	s3 =	sld [smem:$0x3FFD];
	_ =	sdelay $0x3  }
0x96: {  	_ =	strace s3  }
0x97: {  	_ =	strace $0x8FFFFFFF  }
0x98: {  	s19 =	sld [smem:$0x3FDB];
	_ =	sdelay $0x1  }
0x99: {  	s4 =	simm.s32 $_scs_section_size  }
0x9a: {  	s5 =	simm.s32 $_size__tile_overlayer_lowered;
	s6 =	simm.s32 $_tile_overlayer_lowered  }
0x9b: {  	s22 =	simm.s32 $0x1BFF;
	s21 =	sshll.u32 s6, $0x1;
	s3 =	sadd.s32 s4, s19  }
0x9c: {  	s7 =	simm.s32 $0x0;
	s20 =	sshll.u32 s5, $0x1;
	s5 =	sadd.s32 s21, s3  }
0x9d: {  	[timem:s7], [sflag:s22] =	dma.local [hbm:s5], s20  }
0x9e: {  	_ =	swait.ge [sflag:s22], s20  }
0x9f: {  	s4 =	ssub.s32 $0x0, s20;
	[sflag:s22] =	ssyncset.done $0x0  }
0xa0: {  	[sflag:s22] =	ssyncadd.s32 s4;
	_ =	sdelay $0x1  }
0xa1: {  	s23 =	simm.s32 $0x1B8B  }
0xa2: {  	_ =	swait.ge [sflag:s23], $0x1  }
0xa3: {  	[sflag:s23] =	ssyncset.done $0x0  }
0xa4: {  	s25 =	simm.s32 $0x1B8E;
	s24 =	sld [smem:$0x3FFE];
	[sflag:s23] =	ssyncadd.s32 $0xFFFFFFFF  }
0xa5: {  	s26 =	simm.s32 $execute0_lowered;
	[smem:$0x3FD2] =	sst s25  }
0xa6: {  	s5 =	sshll.u32 s26, $0x1;
	_ =	strace $0x80000046;
	[dreg:$0x1] =	wrdreg $0xFFFFFFFF  }
0xa7: {  	s28 =	simm.s32 $_size_execute0_lowered;
	s3 =	sadd.s32 s3, s5;
	[dreg:$0x0] =	wrdreg $0x0  }
0xa8: {  	s5 =	sshll.u32 s28, $0x1;
	[dreg:$0x2] =	wrdreg s3  }
0xa9: {  	[dreg:$0x3] =	wrdreg s5  }
0xaa: {  	[dreg:$0x4] =	wrdreg $0xC0  }
0xab: {  	_ =	task [dreg:s7], $0x5FFFF  }
0xac: {  	[dreg:$0x1] =	wrdreg $0xFFFFFFFF  }
0xad: {  	[dreg:$0x0] =	wrdreg $0x60  }
0xae: {  	[dreg:$0x2] =	wrdreg s24  }
0xaf: {  	[dreg:$0x3] =	wrdreg s2  }
0xb0: {  	[dreg:$0x4] =	wrdreg $0x9  }
0xb1: {  	_ =	task.clear_ibuf [dreg:s7], $0x5FFFF;
	_ =	strace $0x90000046  }
0xb2: {  	s29 =	simm.s32 $0x9;
	_ =	strace $0x80000048  }
0xb3: {  	_ =	swait.ge [sflag:s29], $0x1  }
0xb4: {  	[sflag:s29] =	ssyncadd.s32 $0xFFFFFFFF  }
0xb5: {  	_ =	strace $0x90000048  }
0xb6: {  	_ =	sfence  }
0xb7: {  	s30 =	sld [smem:$0x0];
	_ =	sdelay $0x2  }
0xb8: {  	s31 =	sshll.u32 s1, $0xD;
	s1 =	sshrl.u32 s1, $0x2  }
0xb9: {  	s3 =	sand.u32 $0x4000, s31;
	s1 =	sadd.s32 s1, s30  }
0xba: {  	s0 =	sor.u32 s3, s0;
	s1 =	sshll.u32 s1, $0x11  }
0xbb: {  	s0 =	sor.u32 s1, s0  }
0xbc: {  	s0 =	sadd.s32 $0x8F2B, s0  }
0xbd: {  	[sflag:s0] =	ssyncadd.remote.s32 $0x1  }
0xbe: {  	_ =	sfence.sel $0xFFFF  }
0xbf: {  	[dreg:$0x0] =	wrdreg $0xFFFFFFFF;
	(pc) =	sbr.abs _section_cstart, $3  }
0xc0: {  	[dreg:$0x1] =	wrdreg $0xFFFFFFFF  }
0xc1: {  	_ =	task.clear_ibuf [dreg:s7], $0x2FFFF;
	_ =	strace $0x9FFFFFFF  }
0xc2: {  	(tm) =	ssettm $0x7FFFFFFF  }
0xc3: {  	_ =	shalt  }
tec
execute0_lowered:
.L_overlay_start_1:
0x0: {  	(tag) =	ssettag $0x1  }
0x1: {  	s0 =	rddreg [dreg:$0x0];
	s1 =	srdreg.scid  }
0x2: {  	s11 =	stileid.u32;
	s5 =	rddreg [dreg:$0x1]  }
0x3: {  	s2 =	simm.s32 $0x0;
	s23 =	simm.s32 $0x6100;
	s28 =	simm.s32 $0x8100  }
0x4: {  	s29 =	simm.s32 $0x8900;
	s30 =	simm.s32 $0x9100;
	s3 =	smul.u32 $0xC80, s11  }
0x5: {  	s31 =	simm.s32 $0x9900;
	s13 =	simm.s32 $0xC180;
	s6 =	smul.u32 $0x19000, s11  }
0x6: {  	s14 =	simm.s32 $0xC980;
	s15 =	simm.s32 $0xD180;
	s8 =	smul.u32 $0x6400, s11  }
0x7: {  	s16 =	simm.s32 $0xD980;
	s1 =	sand.u32 $0x1, s1;
	s11 =	smul.u32 $0x320, s11  }
0x8: {  	s17 =	simm.s32 $0xE180;
	s18 =	simm.s32 $0xE980;
	s4 =	smul.u32 $0x640, s1  }
0x9: {  	s20 =	simm.s32 $0x0;
	[smem:$0x7FF] =	sst s2;
	s9 =	smul.u32 $0xC800, s1  }
0xa: {  	_ =	strace $0x80000047;
	s10 =	ssub.s32 $0x2, s1;
	s12 =	smul.u32 $0x190, s1  }
0xb: {  	s1 =	smul.u32 $0x3200, s1;
	s6 =	sadd.s32 s6, s0;
	s24 =	sshrl.u32 s10, $0x1  }
0xc: {  	s4 =	sadd.s32 s4, s3;
	s3 =	sadd.s32 $0x14600, s0;
	s6 =	sadd.s32 s9, s6  }
0xd: {  	s25 =	sadd.s32 s12, s11;
	s11 =	simm.s32 $0x100;
	s12 =	simm.s32 $0xB980  }
0xe: {  	s7 =	sshrl.u32 s4, $0x3;
	s4 =	sadd.s32 $0x3600, s0;
	s6 =	sadd.s32 $0x7E000, s6  }
0xf: {  	s26 =	sshrl.u32 s25, $0x3;
	s25 =	simm.s32 $0x7100;
	s7 =	sadd.s32 s7, s0  }
0x10: {  	s0 =	sadd.s32 s8, s0;
	s8 =	ssub.s32 s10, s24;
	[dreg:$0x4] =	wrdreg s6  }
0x11: {  	s9 =	sadd.s32 s26, s5;
	s10 =	simm.s32 $0x2;
	s24 =	simm.s32 $0x6900  }
0x12: {  	s26 =	simm.s32 $0x7900;
	s5 =	simm.s32 $0xA180;
	s6 =	simm.s32 $0xA980  }
0x13: {  	v2 =	vlaneseq.u32;
	s8 =	smax.u32 s8, $0x1;
	s7 =	sadd.s32 $0x18600, s7;
	s0 =	sadd.s32 s1, s0  }
0x14: {  	vm0 =	vmmov $0xffff;
	v1 =	vshrl.u32 v2, $0x3;
	s1 =	simm.s32 $0x1;
	[dreg:$0x3] =	wrdreg s8;
	s0 =	sadd.s32 $0x1A000, s0  }
0x15: {  	v0 =	vand.u32 $0x7, v2;
	v2 =	vor.u32 $0x8, v2;
	v1 =	vmul.u32 $0x8, v1;
	s8 =	simm.s32 $0xB180;
	[dreg:$0x5] =	wrdreg s0;
	s0 =	simm.s32 $0xA100  }
.LBB2_1:
0x16: {  	[dreg:$0x6] =	wrdreg s20  }
0x17: {  	s20 =	rddreg [dreg:$0x4];
	s21 =	simm.s32 $0x0  }
.LBB2_2:
0x18: {  	s22 =	sadd.s32 s21, s7;
	s19 =	simm.s32 $0x0  }
0x19: {  	[tilespmem:s19], [sflag:$0x2] =	stream.linear.gather [hbm4b:s22+s19], $0xA0, $0x38;
	[tilespmem:$0xF180] =	vst v63  }
0x1a: {  	_ =	swait.ge [sflag:s10], $0xA0  }
0x1b: {  	[sflag:s10] =	ssyncset.done $0x0  }
0x1c: {  	[sflag:s10] =	ssyncadd.s32 $0xFFFFFF60  }
0x1d: {  	v3 =	vld [tilespmem:$0x0];
	_ =	sdelay $0x4  }
0x1e: {  	v4 =	vshll.u32 v3, $0x1  }
0x1f: {  	v3 =	vand.u32 $0x7, v3;
	v4 =	vand.u32 $0xFFFFFFF0, v4  }
0x20: {  	v3 =	vor.u32 v3, v4  }
0x21: {  	v4 =	vperm.xlane v3, v0;
	_ =	sdelay $0x1  }
0x22: {  	v3 =	vperm.xlane v3, v2;
	v4 =	vadd.s32 v1, v4;
	_ =	sdelay $0x1  }
0x23: {  	v3 =	vadd.s32 v1, v3;
	_ =	sdelay $0x2  }
0x24: {  	[tilespmem:s11], [sflag:$0x1] =	stream.indirect_vreg.gather [hbm4b:s3+s19], $0x80, v4, vm0, $0xb8;
	[tilespmem:$0xF180] =	vst v63  }
0x25: {  	s22 =	simm.s32 $0x900  }
0x26: {  	[tilespmem:s22], [sflag:$0x1] =	stream.indirect_vreg.gather [hbm4b:s3+s19], $0x80, v3, vm0, $0xb8;
	[tilespmem:$0xF180] =	vst v63  }
0x27: {  	v3 =	vld [tilespmem:$0x10];
	_ =	sdelay $0x4  }
0x28: {  	v55 =	vshll.u32 v3, $0x1  }
0x29: {  	v3 =	vand.u32 $0x7, v3;
	v4 =	vand.u32 $0xFFFFFFF0, v55  }
0x2a: {  	v3 =	vor.u32 v3, v4  }
0x2b: {  	v4 =	vperm.xlane v3, v0;
	_ =	sdelay $0x1  }
0x2c: {  	v3 =	vperm.xlane v3, v2;
	v4 =	vadd.s32 v1, v4;
	_ =	sdelay $0x1  }
0x2d: {  	v3 =	vadd.s32 v1, v3;
	_ =	sdelay $0x1  }
0x2e: {  	s22 =	simm.s32 $0x1100  }
0x2f: {  	[tilespmem:s22], [sflag:$0x1] =	stream.indirect_vreg.gather [hbm4b:s3+s19], $0x80, v4, vm0, $0xb8;
	[tilespmem:$0xF180] =	vst v63  }
0x30: {  	s22 =	simm.s32 $0x1900  }
0x31: {  	[tilespmem:s22], [sflag:$0x1] =	stream.indirect_vreg.gather [hbm4b:s3+s19], $0x80, v3, vm0, $0xb8;
	[tilespmem:$0xF180] =	vst v63  }
0x32: {  	v3 =	vld [tilespmem:$0x20];
	_ =	sdelay $0x4  }
0x33: {  	v56 =	vshll.u32 v3, $0x1  }
0x34: {  	v3 =	vand.u32 $0x7, v3;
	v4 =	vand.u32 $0xFFFFFFF0, v56  }
0x35: {  	v3 =	vor.u32 v3, v4  }
0x36: {  	v4 =	vperm.xlane v3, v0;
	_ =	sdelay $0x1  }
0x37: {  	v3 =	vperm.xlane v3, v2;
	v4 =	vadd.s32 v1, v4;
	_ =	sdelay $0x1  }
0x38: {  	v3 =	vadd.s32 v1, v3;
	_ =	sdelay $0x1  }
0x39: {  	s22 =	simm.s32 $0x2100  }
0x3a: {  	[tilespmem:s22], [sflag:$0x1] =	stream.indirect_vreg.gather [hbm4b:s3+s19], $0x80, v4, vm0, $0xb8;
	[tilespmem:$0xF180] =	vst v63  }
0x3b: {  	s22 =	simm.s32 $0x2900  }
0x3c: {  	[tilespmem:s22], [sflag:$0x1] =	stream.indirect_vreg.gather [hbm4b:s3+s19], $0x80, v3, vm0, $0xb8;
	[tilespmem:$0xF180] =	vst v63  }
0x3d: {  	v3 =	vld [tilespmem:$0x30];
	_ =	sdelay $0x4  }
0x3e: {  	v57 =	vshll.u32 v3, $0x1  }
0x3f: {  	v3 =	vand.u32 $0x7, v3;
	v4 =	vand.u32 $0xFFFFFFF0, v57  }
0x40: {  	v3 =	vor.u32 v3, v4  }
0x41: {  	v4 =	vperm.xlane v3, v0;
	_ =	sdelay $0x1  }
0x42: {  	v3 =	vperm.xlane v3, v2;
	v4 =	vadd.s32 v1, v4;
	_ =	sdelay $0x1  }
0x43: {  	v3 =	vadd.s32 v1, v3;
	_ =	sdelay $0x1  }
0x44: {  	s22 =	simm.s32 $0x3100  }
0x45: {  	[tilespmem:s22], [sflag:$0x1] =	stream.indirect_vreg.gather [hbm4b:s3+s19], $0x80, v4, vm0, $0xb8;
	[tilespmem:$0xF180] =	vst v63  }
0x46: {  	s22 =	simm.s32 $0x3900  }
0x47: {  	[tilespmem:s22], [sflag:$0x1] =	stream.indirect_vreg.gather [hbm4b:s3+s19], $0x80, v3, vm0, $0xb8;
	[tilespmem:$0xF180] =	vst v63  }
0x48: {  	v3 =	vld [tilespmem:$0x40];
	_ =	sdelay $0x4  }
0x49: {  	v58 =	vshll.u32 v3, $0x1  }
0x4a: {  	v3 =	vand.u32 $0x7, v3;
	v4 =	vand.u32 $0xFFFFFFF0, v58  }
0x4b: {  	v3 =	vor.u32 v3, v4  }
0x4c: {  	v4 =	vperm.xlane v3, v0;
	_ =	sdelay $0x1  }
0x4d: {  	v3 =	vperm.xlane v3, v2;
	v4 =	vadd.s32 v1, v4;
	_ =	sdelay $0x1  }
0x4e: {  	v3 =	vadd.s32 v1, v3;
	_ =	sdelay $0x1  }
0x4f: {  	s22 =	simm.s32 $0x4100  }
0x50: {  	[tilespmem:s22], [sflag:$0x1] =	stream.indirect_vreg.gather [hbm4b:s3+s19], $0x80, v4, vm0, $0xb8;
	[tilespmem:$0xF180] =	vst v63  }
0x51: {  	s22 =	simm.s32 $0x4900  }
0x52: {  	[tilespmem:s22], [sflag:$0x1] =	stream.indirect_vreg.gather [hbm4b:s3+s19], $0x80, v3, vm0, $0xb8;
	[tilespmem:$0xF180] =	vst v63  }
0x53: {  	v3 =	vld [tilespmem:$0x50];
	_ =	sdelay $0x4  }
0x54: {  	v59 =	vshll.u32 v3, $0x1  }
0x55: {  	v3 =	vand.u32 $0x7, v3;
	v4 =	vand.u32 $0xFFFFFFF0, v59  }
0x56: {  	v3 =	vor.u32 v3, v4  }
0x57: {  	v4 =	vperm.xlane v3, v0;
	_ =	sdelay $0x1  }
0x58: {  	v3 =	vperm.xlane v3, v2;
	v4 =	vadd.s32 v1, v4;
	_ =	sdelay $0x1  }
0x59: {  	v3 =	vadd.s32 v1, v3;
	_ =	sdelay $0x1  }
0x5a: {  	s22 =	simm.s32 $0x5100  }
0x5b: {  	[tilespmem:s22], [sflag:$0x1] =	stream.indirect_vreg.gather [hbm4b:s3+s19], $0x80, v4, vm0, $0xb8;
	[tilespmem:$0xF180] =	vst v63  }
0x5c: {  	s22 =	simm.s32 $0x5900  }
0x5d: {  	[tilespmem:s22], [sflag:$0x1] =	stream.indirect_vreg.gather [hbm4b:s3+s19], $0x80, v3, vm0, $0xb8;
	[tilespmem:$0xF180] =	vst v63  }
0x5e: {  	v3 =	vld [tilespmem:$0x60];
	_ =	sdelay $0x4  }
0x5f: {  	v60 =	vshll.u32 v3, $0x1  }
0x60: {  	v3 =	vand.u32 $0x7, v3;
	v4 =	vand.u32 $0xFFFFFFF0, v60  }
0x61: {  	v3 =	vor.u32 v3, v4  }
0x62: {  	v4 =	vperm.xlane v3, v0;
	_ =	sdelay $0x1  }
0x63: {  	v3 =	vperm.xlane v3, v2;
	v4 =	vadd.s32 v1, v4;
	_ =	sdelay $0x1  }
0x64: {  	v3 =	vadd.s32 v1, v3;
	_ =	sdelay $0x2  }
0x65: {  	[tilespmem:s23], [sflag:$0x1] =	stream.indirect_vreg.gather [hbm4b:s3+s19], $0x80, v4, vm0, $0xb8;
	[tilespmem:$0xF180] =	vst v63  }
0x66: {  	_ = 	snop  }
0x67: {  	[tilespmem:s24], [sflag:$0x1] =	stream.indirect_vreg.gather [hbm4b:s3+s19], $0x80, v3, vm0, $0xb8;
	[tilespmem:$0xF180] =	vst v63  }
0x68: {  	v3 =	vld [tilespmem:$0x70];
	_ =	sdelay $0x4  }
0x69: {  	v61 =	vshll.u32 v3, $0x1  }
0x6a: {  	v3 =	vand.u32 $0x7, v3;
	v4 =	vand.u32 $0xFFFFFFF0, v61  }
0x6b: {  	v3 =	vor.u32 v3, v4  }
0x6c: {  	v4 =	vperm.xlane v3, v0;
	_ =	sdelay $0x1  }
0x6d: {  	v3 =	vperm.xlane v3, v2;
	v4 =	vadd.s32 v1, v4;
	_ =	sdelay $0x1  }
0x6e: {  	v3 =	vadd.s32 v1, v3;
	_ =	sdelay $0x2  }
0x6f: {  	[tilespmem:s25], [sflag:$0x1] =	stream.indirect_vreg.gather [hbm4b:s3+s19], $0x80, v4, vm0, $0xb8;
	[tilespmem:$0xF180] =	vst v63  }
0x70: {  	_ = 	snop  }
0x71: {  	[tilespmem:s26], [sflag:$0x1] =	stream.indirect_vreg.gather [hbm4b:s3+s19], $0x80, v3, vm0, $0xb8;
	[tilespmem:$0xF180] =	vst v63  }
0x72: {  	v3 =	vld [tilespmem:$0x80];
	_ =	sdelay $0x4  }
0x73: {  	v62 =	vshll.u32 v3, $0x1  }
0x74: {  	v3 =	vand.u32 $0x7, v3;
	v4 =	vand.u32 $0xFFFFFFF0, v62  }
0x75: {  	v3 =	vor.u32 v3, v4  }
0x76: {  	v4 =	vperm.xlane v3, v0;
	_ =	sdelay $0x1  }
0x77: {  	v3 =	vperm.xlane v3, v2;
	v4 =	vadd.s32 v1, v4;
	_ =	sdelay $0x1  }
0x78: {  	v3 =	vadd.s32 v1, v3;
	_ =	sdelay $0x2  }
0x79: {  	[tilespmem:s28], [sflag:$0x1] =	stream.indirect_vreg.gather [hbm4b:s3+s19], $0x80, v4, vm0, $0xb8;
	[tilespmem:$0xF180] =	vst v63  }
0x7a: {  	_ = 	snop  }
0x7b: {  	[tilespmem:s29], [sflag:$0x1] =	stream.indirect_vreg.gather [hbm4b:s3+s19], $0x80, v3, vm0, $0xb8;
	[tilespmem:$0xF180] =	vst v63  }
0x7c: {  	v3 =	vld [tilespmem:$0x90];
	_ =	sdelay $0x4  }
0x7d: {  	v63 =	vshll.u32 v3, $0x1  }
0x7e: {  	v3 =	vand.u32 $0x7, v3;
	v4 =	vand.u32 $0xFFFFFFF0, v63  }
0x7f: {  	v3 =	vor.u32 v3, v4  }
0x80: {  	v4 =	vperm.xlane v3, v0;
	_ =	sdelay $0x1  }
0x81: {  	v3 =	vperm.xlane v3, v2;
	v4 =	vadd.s32 v1, v4;
	_ =	sdelay $0x1  }
0x82: {  	v3 =	vadd.s32 v1, v3;
	_ =	sdelay $0x2  }
0x83: {  	[tilespmem:s30], [sflag:$0x1] =	stream.indirect_vreg.gather [hbm4b:s3+s19], $0x80, v4, vm0, $0xb8;
	[tilespmem:$0xF180] =	vst v63  }
0x84: {  	_ = 	snop  }
0x85: {  	[tilespmem:s31], [sflag:$0x1] =	stream.indirect_vreg.gather [hbm4b:s3+s19], $0x80, v3, vm0, $0xb8;
	[tilespmem:$0xF180] =	vst v63  }
0x86: {  	_ =	swait.ge [sflag:s1], $0xA000  }
0x87: {  	p0 =	sne.s32 s21, $0xB4;
	[sflag:s1] =	ssyncset.done $0x0  }
.Ltmp0:
0x88: {  	[sflag:s1] =	ssyncadd.s32 $0xFFFF6000;
	(pc) =	sbr.rel @p0 .LBB2_2-.Ltmp0, $4  }
0x89: {  	[hbm4b:s20+s19] =	stream.linear.scatter [tilespmem:s11], [sflag:$0x2], $0xA000, $0x38;
	[tilespmem:$0xF180] =	vst v63  }
0x8a: {  	_ =	swait.ge [sflag:s10], $0xA000  }
0x8b: {  	[sflag:s10] =	ssyncset.done $0x0  }
0x8c: {  	s21 =	sadd.s32 $0x14, s21;
	s20 =	sadd.s32 $0x1400, s20;
	[sflag:s10] =	ssyncadd.s32 $0xFFFF6000  }
0x8d: {  	s20 =	rddreg [dreg:$0x5]  }
.LBB2_4:
0x8e: {  	s21 =	sadd.s32 s19, s9  }
0x8f: {  	[tilespmem:s0], [sflag:$0x2] =	stream.linear.gather [hbm4b:s21+s2], $0x50, $0x38;
	[tilespmem:$0xF180] =	vst v63  }
0x90: {  	_ =	swait.ge [sflag:s10], $0x50  }
0x91: {  	[sflag:s10] =	ssyncset.done $0x0  }
0x92: {  	[sflag:s10] =	ssyncadd.s32 $0xFFFFFFB0  }
0x93: {  	v3 =	vld [tilespmem:$0xA100];
	_ =	sdelay $0x4  }
0x94: {  	v4 =	vshll.u32 v3, $0x1  }
0x95: {  	v3 =	vand.u32 $0x7, v3;
	v4 =	vand.u32 $0xFFFFFFF0, v4  }
0x96: {  	v3 =	vor.u32 v3, v4  }
0x97: {  	v4 =	vperm.xlane v3, v0;
	_ =	sdelay $0x1  }
0x98: {  	v3 =	vperm.xlane v3, v2;
	v4 =	vadd.s32 v1, v4;
	_ =	sdelay $0x1  }
0x99: {  	v3 =	vadd.s32 v1, v3;
	_ =	sdelay $0x2  }
0x9a: {  	[tilespmem:s5], [sflag:$0x1] =	stream.indirect_vreg.gather [hbm4b:s4+s2], $0x80, v4, vm0, $0xb8;
	[tilespmem:$0xF180] =	vst v63  }
0x9b: {  	_ = 	snop  }
0x9c: {  	[tilespmem:s6], [sflag:$0x1] =	stream.indirect_vreg.gather [hbm4b:s4+s2], $0x80, v3, vm0, $0xb8;
	[tilespmem:$0xF180] =	vst v63  }
0x9d: {  	v3 =	vld [tilespmem:$0xA110];
	_ =	sdelay $0x4  }
0x9e: {  	v60 =	vshll.u32 v3, $0x1  }
0x9f: {  	v3 =	vand.u32 $0x7, v3;
	v4 =	vand.u32 $0xFFFFFFF0, v60  }
0xa0: {  	v3 =	vor.u32 v3, v4  }
0xa1: {  	v4 =	vperm.xlane v3, v0;
	_ =	sdelay $0x1  }
0xa2: {  	v3 =	vperm.xlane v3, v2;
	v4 =	vadd.s32 v1, v4;
	_ =	sdelay $0x1  }
0xa3: {  	v3 =	vadd.s32 v1, v3;
	_ =	sdelay $0x2  }
0xa4: {  	[tilespmem:s8], [sflag:$0x1] =	stream.indirect_vreg.gather [hbm4b:s4+s2], $0x80, v4, vm0, $0xb8;
	[tilespmem:$0xF180] =	vst v63  }
0xa5: {  	_ = 	snop  }
0xa6: {  	[tilespmem:s12], [sflag:$0x1] =	stream.indirect_vreg.gather [hbm4b:s4+s2], $0x80, v3, vm0, $0xb8;
	[tilespmem:$0xF180] =	vst v63  }
0xa7: {  	v3 =	vld [tilespmem:$0xA120];
	_ =	sdelay $0x4  }
0xa8: {  	v61 =	vshll.u32 v3, $0x1  }
0xa9: {  	v3 =	vand.u32 $0x7, v3;
	v4 =	vand.u32 $0xFFFFFFF0, v61  }
0xaa: {  	v3 =	vor.u32 v3, v4  }
0xab: {  	v4 =	vperm.xlane v3, v0;
	_ =	sdelay $0x1  }
0xac: {  	v3 =	vperm.xlane v3, v2;
	v4 =	vadd.s32 v1, v4;
	_ =	sdelay $0x1  }
0xad: {  	v3 =	vadd.s32 v1, v3;
	_ =	sdelay $0x2  }
0xae: {  	[tilespmem:s13], [sflag:$0x1] =	stream.indirect_vreg.gather [hbm4b:s4+s2], $0x80, v4, vm0, $0xb8;
	[tilespmem:$0xF180] =	vst v63  }
0xaf: {  	_ = 	snop  }
0xb0: {  	[tilespmem:s14], [sflag:$0x1] =	stream.indirect_vreg.gather [hbm4b:s4+s2], $0x80, v3, vm0, $0xb8;
	[tilespmem:$0xF180] =	vst v63  }
0xb1: {  	v3 =	vld [tilespmem:$0xA130];
	_ =	sdelay $0x4  }
0xb2: {  	v62 =	vshll.u32 v3, $0x1  }
0xb3: {  	v3 =	vand.u32 $0x7, v3;
	v4 =	vand.u32 $0xFFFFFFF0, v62  }
0xb4: {  	v3 =	vor.u32 v3, v4  }
0xb5: {  	v4 =	vperm.xlane v3, v0;
	_ =	sdelay $0x1  }
0xb6: {  	v3 =	vperm.xlane v3, v2;
	v4 =	vadd.s32 v1, v4;
	_ =	sdelay $0x1  }
0xb7: {  	v3 =	vadd.s32 v1, v3;
	_ =	sdelay $0x2  }
0xb8: {  	[tilespmem:s15], [sflag:$0x1] =	stream.indirect_vreg.gather [hbm4b:s4+s2], $0x80, v4, vm0, $0xb8;
	[tilespmem:$0xF180] =	vst v63  }
0xb9: {  	_ = 	snop  }
0xba: {  	[tilespmem:s16], [sflag:$0x1] =	stream.indirect_vreg.gather [hbm4b:s4+s2], $0x80, v3, vm0, $0xb8;
	[tilespmem:$0xF180] =	vst v63  }
0xbb: {  	v3 =	vld [tilespmem:$0xA140];
	_ =	sdelay $0x4  }
0xbc: {  	v63 =	vshll.u32 v3, $0x1  }
0xbd: {  	v3 =	vand.u32 $0x7, v3;
	v4 =	vand.u32 $0xFFFFFFF0, v63  }
0xbe: {  	v3 =	vor.u32 v3, v4  }
0xbf: {  	v4 =	vperm.xlane v3, v0;
	_ =	sdelay $0x1  }
0xc0: {  	v3 =	vperm.xlane v3, v2;
	v4 =	vadd.s32 v1, v4;
	_ =	sdelay $0x1  }
0xc1: {  	v3 =	vadd.s32 v1, v3;
	_ =	sdelay $0x2  }
0xc2: {  	[tilespmem:s17], [sflag:$0x1] =	stream.indirect_vreg.gather [hbm4b:s4+s2], $0x80, v4, vm0, $0xb8;
	[tilespmem:$0xF180] =	vst v63  }
0xc3: {  	_ = 	snop  }
0xc4: {  	[tilespmem:s18], [sflag:$0x1] =	stream.indirect_vreg.gather [hbm4b:s4+s2], $0x80, v3, vm0, $0xb8;
	[tilespmem:$0xF180] =	vst v63  }
0xc5: {  	_ =	swait.ge [sflag:s1], $0x5000  }
0xc6: {  	p0 =	sne.s32 s19, $0x28;
	[sflag:s1] =	ssyncset.done $0x0  }
.Ltmp1:
0xc7: {  	[sflag:s1] =	ssyncadd.s32 $0xFFFFB000;
	(pc) =	sbr.rel @p0 .LBB2_4-.Ltmp1, $4  }
0xc8: {  	[hbm4b:s20+s2] =	stream.linear.scatter [tilespmem:s5], [sflag:$0x2], $0x5000, $0x38;
	[tilespmem:$0xF180] =	vst v63  }
0xc9: {  	_ =	swait.ge [sflag:s10], $0x5000  }
0xca: {  	[sflag:s10] =	ssyncset.done $0x0  }
0xcb: {  	s19 =	sadd.s32 $0xA, s19;
	s20 =	sadd.s32 $0xA00, s20;
	[sflag:s10] =	ssyncadd.s32 $0xFFFFB000  }
0xcc: {  	s20 =	rddreg [dreg:$0x6]  }
0xcd: {  	s19 =	rddreg [dreg:$0x3];
	s20 =	sadd.s32 $0x1, s20  }
0xce: {  	p0 =	sne.s32 s20, s19  }
.Ltmp2:
0xcf: {  	_ = 	snop;
	(pc) =	sbr.rel @p0 .LBB2_1-.Ltmp2, $1  }
0xd0: {  	_ =	sdelay $0x3  }
0xd1: {  	_ =	sfence.sel $0x180000  }
0xd2: {  	[bflag:$0x0] =	sbarrier.arrive $0xFFFF  }
0xd3: {  	_ =	strace $0x90000047  }
0xd4: {  	s0 =	stileid.u32;
	[bflag:$0x2] =	sbarrier.arrive $0xFFFF  }
0xd5: {  	p0 =	sne.s32 s0, $0x0;
	s0 =	rddreg [dreg:$0x2]  }
0xd6: {  	s0 =	sadd.s32 @!p0 $0x100000, s0  }
0xd7: {  	[sflag:s0] =	ssyncadd.tile.s32 @!p0 $0x1;
	_ =	shalt  }
.Lfunc_end2:
_tile_overlayer_lowered:
.L_overlay_start_2:
0xd8: {  	(tag) =	ssettag $0x2  }
0xd9: {  	s0 =	rddreg [dreg:$0x0];
	s2 =	stileid.u32  }
0xda: {  	s1 =	rddreg [dreg:$0x1];
	p0 =	sne.s32 s2, $0x0  }
0xdb: {  	s3 =	rddreg [dreg:$0x2];
	[bflag:$0x3] =	sbarrier.arrive $0xFFFF;
	s2 =	simm.s32 @!p0 $0x1C02  }
0xdc: {  	[timem:s3], [sflag:s2] =	dma.local @!p0 [hbm:s0], s1  }
0xdd: {  	s0 =	simm.s32 @!p0 $0x2  }
0xde: {  	_ =	swait.ge @!p0 [sflag:s0], s1  }
0xdf: {  	s1 =	ssub.s32 @!p0 $0x0, s1;
	[sflag:s0] =	ssyncset.done @!p0 $0x0  }
0xe0: {  	[sflag:s0] =	ssyncadd.s32 @!p0 s1  }
0xe1: {  	[bflag:$0x3] =	sbarrier.arrive $0xFFFF  }
0xe2: {  	_ =	shalt  }

</sc_bundles>
